<compile_context>
chip_gen: v7x
topology: tpu7x:2x2x1
jax: 0.10.2.dev20260603
libtpu: 0.0.44.dev20260713+nightly
codegen_flags: <defaults>
</compile_context>

<pallas_src>
import functools
import jax
import jax.numpy as jnp
from jax import lax
from jax.experimental import pallas as pl
from jax.experimental.pallas import tpu as pltpu
from jax.experimental.pallas import tpu_sc as plsc

N_NODES = 10000
N_EDGES = 320000
D_FEAT = 128
KU = 64
W = 128

NC = 2
NS = 16
NW = NC * NS
CHUNK = 128
BLK = 16
N_BLOCKS = 5
N_IT = N_BLOCKS * BLK
E_PER_W = N_IT * CHUNK
N_EDGES_PAD = NW * E_PER_W
NBUF = 2
N_PAD = 10240
ROWS_PER_TILE = N_PAD // NS
PAD_ROW = N_PAD - 8


def _scatter_mean_sc(y_aug, row_g, col_g):
  mesh = plsc.VectorSubcoreMesh(core_axis_name="c", subcore_axis_name="s",
                                num_cores=NC)

  @functools.partial(
      pl.kernel,
      out_type=pltpu.MemorySpace.HBM((NC, NS, ROWS_PER_TILE, W), jnp.float32),
      mesh=mesh,
      scratch_types=[
          pltpu.VMEM((BLK, CHUNK), jnp.int32),
          pltpu.VMEM((BLK, CHUNK), jnp.int32),
          pltpu.VMEM((NBUF, CHUNK, W), jnp.float32),
          pltpu.VMEM_SHARED((N_PAD, W), jnp.float32),
          pltpu.SemaphoreType.DMA,
          pltpu.SemaphoreType.DMA,
      ],
  )
  def k(y_hbm, row_hbm, col_hbm, out_hbm, colb, rowb, bufs, acc, gsem, ssem):
    cid = lax.axis_index("c")
    sid = lax.axis_index("s")
    wid = sid * NC + cid

    def zbody(i, carry):
      for j in range(W // 16):
        bufs[0, i, pl.ds(j * 16, 16)] = jnp.zeros((16,), jnp.float32)
      return carry
    lax.fori_loop(0, CHUNK, zbody, 0)
    for kk in range(ROWS_PER_TILE // CHUNK):
      pltpu.sync_copy(
          bufs.at[0], acc.at[pl.ds(sid * ROWS_PER_TILE + kk * CHUNK, CHUNK)])
    plsc.subcore_barrier()

    def outer(go, carry):
      pltpu.sync_copy(col_hbm.at[wid, go], colb)
      pltpu.sync_copy(row_hbm.at[wid, go], rowb)
      gd = [None] * BLK
      sd = [None] * BLK
      gd[0] = pltpu.async_copy(y_hbm.at[colb.at[0]], bufs.at[0], gsem)
      for c in range(BLK):
        if c >= 1:
          sd[c - 1].wait()
        if c + 1 < BLK:
          gd[c + 1] = pltpu.async_copy(
              y_hbm.at[colb.at[c + 1]], bufs.at[(c + 1) % NBUF], gsem)
        gd[c].wait()
        sd[c] = pltpu.async_copy(bufs.at[c % NBUF], acc.at[rowb.at[c]], ssem,
                                 add=True)
      sd[BLK - 1].wait()
      return carry
    lax.fori_loop(0, N_BLOCKS, outer, 0)

    plsc.subcore_barrier()
    pltpu.sync_copy(
        acc.at[pl.ds(sid * ROWS_PER_TILE, ROWS_PER_TILE)],
        out_hbm.at[cid, sid])

  return k(y_aug, row_g, col_g)


def _project_tc(x, nk_pad):
  def body(x_ref, nk_ref, out_ref):
    y = jnp.dot(x_ref[...], nk_ref[...], preferred_element_type=jnp.float32)
    col = lax.broadcasted_iota(jnp.int32, (N_NODES, W), 1)
    out_ref[...] = y + jnp.where(col == KU, 1.0, 0.0)

  return pl.pallas_call(
      body,
      out_shape=jax.ShapeDtypeStruct((N_NODES, W), jnp.float32),
  )(x, nk_pad)


def _combine_tc(x, sk, parts, bias2d):
  def body(x_ref, sk_ref, p_ref, b_ref, out_ref):
    p = p_ref[0]
    for c in range(1, NC):
      p = p + p_ref[c]
    p = p[:N_NODES]
    counts = jnp.maximum(p[:, KU:KU + 1], 1.0)
    mean = p[:, :KU] / counts
    self_msg = jnp.dot(x_ref[...], sk_ref[...],
                       preferred_element_type=jnp.float32)
    h = jnp.concatenate([self_msg, mean], axis=1) + b_ref[...]
    out_ref[...] = jnp.maximum(h, 0.0)

  return pl.pallas_call(
      body,
      out_shape=jax.ShapeDtypeStruct((N_NODES, 2 * KU), jnp.float32),
  )(x, sk, parts, bias2d)


def kernel(x, edge_index, self_kernel, neighbor_kernel, bias):
  nk_pad = jnp.zeros((D_FEAT, W), jnp.float32).at[:, :KU].set(neighbor_kernel)
  y_aug = _project_tc(x, nk_pad)
  pad = N_EDGES_PAD - N_EDGES
  row_p = jnp.concatenate(
      [edge_index[0], jnp.full((pad,), PAD_ROW, jnp.int32)])
  col_p = jnp.concatenate([edge_index[1], jnp.zeros((pad,), jnp.int32)])
  row_g = row_p.reshape(NW, N_BLOCKS, BLK, CHUNK)
  col_g = col_p.reshape(NW, N_BLOCKS, BLK, CHUNK)
  parts = _scatter_mean_sc(y_aug, row_g, col_g).reshape(NC, N_PAD, W)
  return _combine_tc(x, self_kernel, parts, bias.reshape(1, 2 * KU))

# --- scband reference (transcript-rebuilt; emitter-appended) ---
"""Pipeline reference for scband-mean-graph-sage-79972291052240 (READ-ONLY COPY).

The authoritative reference and input builder live on the scoring server;
editing this copy changes nothing except your own understanding.
"""

import jax, jax.numpy as jnp
import numpy as np

N_NODES = 10000
N_EDGES = 320000
D_FEAT = 128
UNITS = 128
KERNEL_UNITS = UNITS // 2  # concat=True


def _glorot(key, shape):
    fan_in, fan_out = shape
    limit = np.sqrt(6.0 / (fan_in + fan_out))
    return jax.random.uniform(key, shape, dtype=jnp.float32, minval=-limit, maxval=limit)


def setup_inputs(seed: int = 0) -> dict:
    key = jax.random.key(seed)
    k1, k2, k3, k4 = jax.random.split(key, 4)
    x = jax.random.normal(k1, (N_NODES, D_FEAT), dtype=jnp.float32)
    edge_index = jax.random.randint(k2, (2, N_EDGES), 0, N_NODES, dtype=jnp.int32)
    self_kernel = _glorot(k3, (D_FEAT, KERNEL_UNITS))
    neighbor_kernel = _glorot(k4, (D_FEAT, KERNEL_UNITS))
    bias = jnp.zeros((UNITS,), dtype=jnp.float32)
    return {"x": x, "edge_index": edge_index, "self_kernel": self_kernel,
            "neighbor_kernel": neighbor_kernel, "bias": bias}


def reference(x, edge_index, self_kernel, neighbor_kernel, bias):
    # mean_graph_sage with concat=True, normalize=False, activation=relu
    row = edge_index[0]  # destination nodes (segments)
    col = edge_index[1]  # source/neighbor nodes (gather)
    neighbor_x = jnp.take(x, col, axis=0)                      # gather [E, D]
    sums = jax.ops.segment_sum(neighbor_x, row, num_segments=N_NODES)  # scatter-add
    counts = jax.ops.segment_sum(jnp.ones((N_EDGES, 1), dtype=x.dtype), row,
                                 num_segments=N_NODES)
    neighbor_mean = sums / jnp.maximum(counts, 1.0)            # segment mean
    neighbor_msg = neighbor_mean @ neighbor_kernel             # [N, UNITS//2]
    self_msg = x @ self_kernel                                 # [N, UNITS//2]
    h = jnp.concatenate([self_msg, neighbor_msg], axis=1)      # concat=True -> [N, UNITS]
    h = h + bias
    h = jax.nn.relu(h)
    return h

if __name__ == "__main__":
    import jax
    _d = setup_inputs()
    print(jax.jit(kernel)(*tuple(_d.values())))

</pallas_src>

<mosaic_0001>
#map = affine_map<(d0, d1) -> (0, 0)>
#map1 = affine_map<(d0, d1) -> (0, 0, 0, 0)>
module attributes {stable_mosaic.version = 14 : i64} {
  func.func @k(%arg0: i32, %arg1: i32, %arg2: memref<10000x128xf32, #tpu.memory_space<hbm>>, %arg3: memref<32x5x16x128xi32, #tpu.memory_space<hbm>>, %arg4: memref<32x5x16x128xi32, #tpu.memory_space<hbm>>, %arg5: memref<2x16x640x128xf32, #tpu.memory_space<hbm>>, %arg6: memref<16x128xi32, #tpu.memory_space<vmem>>, %arg7: memref<16x128xi32, #tpu.memory_space<vmem>>, %arg8: memref<2x128x128xf32, #tpu.memory_space<vmem>>, %arg9: memref<10240x128xf32, #tpu.memory_space<vmem_shared>>, %arg10: memref<!tpu.dma_semaphore, #tpu.memory_space<semaphore_mem>>, %arg11: memref<!tpu.dma_semaphore, #tpu.memory_space<semaphore_mem>>) attributes {dimension_semantics = [#tpu.dimension_semantics<core_parallel>, #tpu.dimension_semantics<subcore_parallel>], iteration_bounds = array<i64: 2, 16>, scalar_prefetch = 0 : i64, scratch_operands = 6 : i64, tpu.core_type = #tpu.core_type<sc_vector_subcore>, window_params = [{transform_indices = #map}, {transform_indices = #map1}, {transform_indices = #map1}, {transform_indices = #map1}]} {
    %mul3A = arith.constant 2 : i32
    %mul3A_0 = arith.muli %arg1, %mul3A : i32
    %add3A = arith.addi %mul3A_0, %arg0 : i32
    %scan3A = arith.constant 0 : i32
    %scan3A_1 = arith.constant 0 : i32
    %scan3A_2 = arith.constant 128 : i32
    %scan3A_3 = arith.addi %scan3A_1, %scan3A_2 : i32
    %scan3A_4 = arith.constant 1 : i32
    scf.for %scan3A_39 = %scan3A_1 to %scan3A_3 step %scan3A_4  : i32 {
      %broadcast_in_dim3A = arith.constant 0.000000e+00 : f32
      %broadcast_in_dim3A_40 = vector.broadcast %broadcast_in_dim3A : f32 to vector<16xf32>
      %swap3A = arith.constant 0 : i32
      %swap3A_41 = arith.index_cast %swap3A : i32 to index
      %swap3A_42 = arith.index_cast %scan3A_39 : i32 to index
      %swap3A_43 = arith.constant 0 : index
      %swap3A_44 = tpu.vector_load %arg8[%swap3A_41, %swap3A_42, %swap3A_43] {strides = array<i32>} : memref<2x128x128xf32, #tpu.memory_space<vmem>>, vector<1x1x16xf32>,
      %swap3A_45 = vector.shape_cast %swap3A_44 : vector<1x1x16xf32> to vector<16xf32>
      %swap3A_46 = vector.shape_cast %broadcast_in_dim3A_40 : vector<16xf32> to vector<1x1x16xf32>
      tpu.vector_store %arg8[%swap3A_41, %swap3A_42, %swap3A_43], %swap3A_46 {strides = array<i32>} : memref<2x128x128xf32, #tpu.memory_space<vmem>>, vector<1x1x16xf32>,
      %broadcast_in_dim3A_47 = arith.constant 0.000000e+00 : f32
      %broadcast_in_dim3A_48 = vector.broadcast %broadcast_in_dim3A_47 : f32 to vector<16xf32>
      %swap3A_49 = arith.constant 0 : i32
      %swap3A_50 = arith.index_cast %swap3A_49 : i32 to index
      %swap3A_51 = arith.index_cast %scan3A_39 : i32 to index
      %swap3A_52 = arith.constant 16 : index
      %swap3A_53 = tpu.vector_load %arg8[%swap3A_50, %swap3A_51, %swap3A_52] {strides = array<i32>} : memref<2x128x128xf32, #tpu.memory_space<vmem>>, vector<1x1x16xf32>,
      %swap3A_54 = vector.shape_cast %swap3A_53 : vector<1x1x16xf32> to vector<16xf32>
      %swap3A_55 = vector.shape_cast %broadcast_in_dim3A_48 : vector<16xf32> to vector<1x1x16xf32>
      tpu.vector_store %arg8[%swap3A_50, %swap3A_51, %swap3A_52], %swap3A_55 {strides = array<i32>} : memref<2x128x128xf32, #tpu.memory_space<vmem>>, vector<1x1x16xf32>,
      %broadcast_in_dim3A_56 = arith.constant 0.000000e+00 : f32
      %broadcast_in_dim3A_57 = vector.broadcast %broadcast_in_dim3A_56 : f32 to vector<16xf32>
      %swap3A_58 = arith.constant 0 : i32
      %swap3A_59 = arith.index_cast %swap3A_58 : i32 to index
      %swap3A_60 = arith.index_cast %scan3A_39 : i32 to index
      %swap3A_61 = arith.constant 32 : index
      %swap3A_62 = tpu.vector_load %arg8[%swap3A_59, %swap3A_60, %swap3A_61] {strides = array<i32>} : memref<2x128x128xf32, #tpu.memory_space<vmem>>, vector<1x1x16xf32>,
      %swap3A_63 = vector.shape_cast %swap3A_62 : vector<1x1x16xf32> to vector<16xf32>
      %swap3A_64 = vector.shape_cast %broadcast_in_dim3A_57 : vector<16xf32> to vector<1x1x16xf32>
      tpu.vector_store %arg8[%swap3A_59, %swap3A_60, %swap3A_61], %swap3A_64 {strides = array<i32>} : memref<2x128x128xf32, #tpu.memory_space<vmem>>, vector<1x1x16xf32>,
      %broadcast_in_dim3A_65 = arith.constant 0.000000e+00 : f32
      %broadcast_in_dim3A_66 = vector.broadcast %broadcast_in_dim3A_65 : f32 to vector<16xf32>
      %swap3A_67 = arith.constant 0 : i32
      %swap3A_68 = arith.index_cast %swap3A_67 : i32 to index
      %swap3A_69 = arith.index_cast %scan3A_39 : i32 to index
      %swap3A_70 = arith.constant 48 : index
      %swap3A_71 = tpu.vector_load %arg8[%swap3A_68, %swap3A_69, %swap3A_70] {strides = array<i32>} : memref<2x128x128xf32, #tpu.memory_space<vmem>>, vector<1x1x16xf32>,
      %swap3A_72 = vector.shape_cast %swap3A_71 : vector<1x1x16xf32> to vector<16xf32>
      %swap3A_73 = vector.shape_cast %broadcast_in_dim3A_66 : vector<16xf32> to vector<1x1x16xf32>
      tpu.vector_store %arg8[%swap3A_68, %swap3A_69, %swap3A_70], %swap3A_73 {strides = array<i32>} : memref<2x128x128xf32, #tpu.memory_space<vmem>>, vector<1x1x16xf32>,
      %broadcast_in_dim3A_74 = arith.constant 0.000000e+00 : f32
      %broadcast_in_dim3A_75 = vector.broadcast %broadcast_in_dim3A_74 : f32 to vector<16xf32>
      %swap3A_76 = arith.constant 0 : i32
      %swap3A_77 = arith.index_cast %swap3A_76 : i32 to index
      %swap3A_78 = arith.index_cast %scan3A_39 : i32 to index
      %swap3A_79 = arith.constant 64 : index
      %swap3A_80 = tpu.vector_load %arg8[%swap3A_77, %swap3A_78, %swap3A_79] {strides = array<i32>} : memref<2x128x128xf32, #tpu.memory_space<vmem>>, vector<1x1x16xf32>,
      %swap3A_81 = vector.shape_cast %swap3A_80 : vector<1x1x16xf32> to vector<16xf32>
      %swap3A_82 = vector.shape_cast %broadcast_in_dim3A_75 : vector<16xf32> to vector<1x1x16xf32>
      tpu.vector_store %arg8[%swap3A_77, %swap3A_78, %swap3A_79], %swap3A_82 {strides = array<i32>} : memref<2x128x128xf32, #tpu.memory_space<vmem>>, vector<1x1x16xf32>,
      %broadcast_in_dim3A_83 = arith.constant 0.000000e+00 : f32
      %broadcast_in_dim3A_84 = vector.broadcast %broadcast_in_dim3A_83 : f32 to vector<16xf32>
      %swap3A_85 = arith.constant 0 : i32
      %swap3A_86 = arith.index_cast %swap3A_85 : i32 to index
      %swap3A_87 = arith.index_cast %scan3A_39 : i32 to index
      %swap3A_88 = arith.constant 80 : index
      %swap3A_89 = tpu.vector_load %arg8[%swap3A_86, %swap3A_87, %swap3A_88] {strides = array<i32>} : memref<2x128x128xf32, #tpu.memory_space<vmem>>, vector<1x1x16xf32>,
      %swap3A_90 = vector.shape_cast %swap3A_89 : vector<1x1x16xf32> to vector<16xf32>
      %swap3A_91 = vector.shape_cast %broadcast_in_dim3A_84 : vector<16xf32> to vector<1x1x16xf32>
      tpu.vector_store %arg8[%swap3A_86, %swap3A_87, %swap3A_88], %swap3A_91 {strides = array<i32>} : memref<2x128x128xf32, #tpu.memory_space<vmem>>, vector<1x1x16xf32>,
      %broadcast_in_dim3A_92 = arith.constant 0.000000e+00 : f32
      %broadcast_in_dim3A_93 = vector.broadcast %broadcast_in_dim3A_92 : f32 to vector<16xf32>
      %swap3A_94 = arith.constant 0 : i32
      %swap3A_95 = arith.index_cast %swap3A_94 : i32 to index
      %swap3A_96 = arith.index_cast %scan3A_39 : i32 to index
      %swap3A_97 = arith.constant 96 : index
      %swap3A_98 = tpu.vector_load %arg8[%swap3A_95, %swap3A_96, %swap3A_97] {strides = array<i32>} : memref<2x128x128xf32, #tpu.memory_space<vmem>>, vector<1x1x16xf32>,
      %swap3A_99 = vector.shape_cast %swap3A_98 : vector<1x1x16xf32> to vector<16xf32>
      %swap3A_100 = vector.shape_cast %broadcast_in_dim3A_93 : vector<16xf32> to vector<1x1x16xf32>
      tpu.vector_store %arg8[%swap3A_95, %swap3A_96, %swap3A_97], %swap3A_100 {strides = array<i32>} : memref<2x128x128xf32, #tpu.memory_space<vmem>>, vector<1x1x16xf32>,
      %broadcast_in_dim3A_101 = arith.constant 0.000000e+00 : f32
      %broadcast_in_dim3A_102 = vector.broadcast %broadcast_in_dim3A_101 : f32 to vector<16xf32>
      %swap3A_103 = arith.constant 0 : i32
      %swap3A_104 = arith.index_cast %swap3A_103 : i32 to index
      %swap3A_105 = arith.index_cast %scan3A_39 : i32 to index
      %swap3A_106 = arith.constant 112 : index
      %swap3A_107 = tpu.vector_load %arg8[%swap3A_104, %swap3A_105, %swap3A_106] {strides = array<i32>} : memref<2x128x128xf32, #tpu.memory_space<vmem>>, vector<1x1x16xf32>,
      %swap3A_108 = vector.shape_cast %swap3A_107 : vector<1x1x16xf32> to vector<16xf32>
      %swap3A_109 = vector.shape_cast %broadcast_in_dim3A_102 : vector<16xf32> to vector<1x1x16xf32>
      tpu.vector_store %arg8[%swap3A_104, %swap3A_105, %swap3A_106], %swap3A_109 {strides = array<i32>} : memref<2x128x128xf32, #tpu.memory_space<vmem>>, vector<1x1x16xf32>,
    }
    %scan3A_5 = arith.constant 128 : i32
    %mul3A_6 = arith.constant 640 : i32
    %mul3A_7 = arith.muli %arg1, %mul3A_6 : i32
    %add3A_8 = arith.constant 0 : i32
    %add3A_9 = arith.addi %mul3A_7, %add3A_8 : i32
    %run_scoped3A = arith.constant 0 : i32
    "tpu.region"() ({
      %run_scoped3A_39 = tpu.sem_alloc : memref<!tpu.dma_semaphore, #tpu.memory_space<semaphore_mem>>
      %dma_start3A = arith.constant 0 : i32
      %dma_start3A_40 = arith.constant 0 : i32
      %dma_start3A_41 = tpu.memref_slice %arg8[%run_scoped3A, %dma_start3A, %dma_start3A_40] : memref<2x128x128xf32, #tpu.memory_space<vmem>> -> memref<1x128x128xf32, #tpu.memory_space<vmem>>
      %dma_start3A_42 = tpu.memref_squeeze %dma_start3A_41 : memref<1x128x128xf32, #tpu.memory_space<vmem>> -> memref<128x128xf32, #tpu.memory_space<vmem>>
      %dma_start3A_43 = arith.constant 0 : i32
      %dma_start3A_44 = tpu.memref_slice %arg9[%add3A_9, %dma_start3A_43] : memref<10240x128xf32, #tpu.memory_space<vmem_shared>> -> memref<128x128xf32, #tpu.memory_space<vmem_shared>>
      %dma_start3A_45 = arith.constant 0 : i32
      %dma_start3A_46 = tpu.memref_slice %arg9[%add3A_9, %dma_start3A_45] : memref<10240x128xf32, #tpu.memory_space<vmem_shared>> -> memref<128x128xf32, #tpu.memory_space<vmem_shared>>
      %dma_start3A_47 = arith.constant 0 : i32
      %dma_start3A_48 = arith.constant 0 : i32
      %dma_start3A_49 = tpu.memref_slice %arg8[%run_scoped3A, %dma_start3A_47, %dma_start3A_48] : memref<2x128x128xf32, #tpu.memory_space<vmem>> -> memref<1x128x128xf32, #tpu.memory_space<vmem>>
      %dma_start3A_50 = tpu.memref_squeeze %dma_start3A_49 : memref<1x128x128xf32, #tpu.memory_space<vmem>> -> memref<128x128xf32, #tpu.memory_space<vmem>>
      tpu.enqueue_dma source(%dma_start3A_50 : memref<128x128xf32, #tpu.memory_space<vmem>>) target(%dma_start3A_46 : memref<128x128xf32, #tpu.memory_space<vmem_shared>>) target_semaphore(%run_scoped3A_39 : memref<!tpu.dma_semaphore, #tpu.memory_space<semaphore_mem>>)
      %dma_wait3A = arith.constant 0 : i32
      %dma_wait3A_51 = arith.constant 0 : i32
      %dma_wait3A_52 = tpu.memref_slice %arg8[%run_scoped3A, %dma_wait3A, %dma_wait3A_51] : memref<2x128x128xf32, #tpu.memory_space<vmem>> -> memref<1x128x128xf32, #tpu.memory_space<vmem>>
      %dma_wait3A_53 = tpu.memref_squeeze %dma_wait3A_52 : memref<1x128x128xf32, #tpu.memory_space<vmem>> -> memref<128x128xf32, #tpu.memory_space<vmem>>
      %dma_wait3A_54 = arith.constant 0 : i32
      %dma_wait3A_55 = tpu.memref_slice %arg9[%add3A_9, %dma_wait3A_54] : memref<10240x128xf32, #tpu.memory_space<vmem_shared>> -> memref<128x128xf32, #tpu.memory_space<vmem_shared>>
      %dma_wait3A_56 = arith.constant 0 : i32
      %dma_wait3A_57 = tpu.memref_slice %arg9[%add3A_9, %dma_wait3A_56] : memref<10240x128xf32, #tpu.memory_space<vmem_shared>> -> memref<128x128xf32, #tpu.memory_space<vmem_shared>>
      %dma_wait3A_58 = arith.constant 0 : i32
      %dma_wait3A_59 = arith.constant 0 : i32
      %dma_wait3A_60 = tpu.memref_slice %arg8[%run_scoped3A, %dma_wait3A_58, %dma_wait3A_59] : memref<2x128x128xf32, #tpu.memory_space<vmem>> -> memref<1x128x128xf32, #tpu.memory_space<vmem>>
      %dma_wait3A_61 = tpu.memref_squeeze %dma_wait3A_60 : memref<1x128x128xf32, #tpu.memory_space<vmem>> -> memref<128x128xf32, #tpu.memory_space<vmem>>
      tpu.wait_dma2 semaphore(%run_scoped3A_39 : memref<!tpu.dma_semaphore, #tpu.memory_space<semaphore_mem>>) src(%dma_wait3A_61 : memref<128x128xf32, #tpu.memory_space<vmem>>) dst(%dma_wait3A_57 : memref<128x128xf32, #tpu.memory_space<vmem_shared>>)
      tpu.yield
    }) : () -> ()
    %mul3A_10 = arith.constant 640 : i32
    %mul3A_11 = arith.muli %arg1, %mul3A_10 : i32
    %add3A_12 = arith.constant 128 : i32
    %add3A_13 = arith.addi %mul3A_11, %add3A_12 : i32
    %run_scoped3A_14 = arith.constant 0 : i32
    "tpu.region"() ({
      %run_scoped3A_39 = tpu.sem_alloc : memref<!tpu.dma_semaphore, #tpu.memory_space<semaphore_mem>>
      %dma_start3A = arith.constant 0 : i32
      %dma_start3A_40 = arith.constant 0 : i32
      %dma_start3A_41 = tpu.memref_slice %arg8[%run_scoped3A_14, %dma_start3A, %dma_start3A_40] : memref<2x128x128xf32, #tpu.memory_space<vmem>> -> memref<1x128x128xf32, #tpu.memory_space<vmem>>
      %dma_start3A_42 = tpu.memref_squeeze %dma_start3A_41 : memref<1x128x128xf32, #tpu.memory_space<vmem>> -> memref<128x128xf32, #tpu.memory_space<vmem>>
      %dma_start3A_43 = arith.constant 0 : i32
      %dma_start3A_44 = tpu.memref_slice %arg9[%add3A_13, %dma_start3A_43] : memref<10240x128xf32, #tpu.memory_space<vmem_shared>> -> memref<128x128xf32, #tpu.memory_space<vmem_shared>>
      %dma_start3A_45 = arith.constant 0 : i32
      %dma_start3A_46 = tpu.memref_slice %arg9[%add3A_13, %dma_start3A_45] : memref<10240x128xf32, #tpu.memory_space<vmem_shared>> -> memref<128x128xf32, #tpu.memory_space<vmem_shared>>
      %dma_start3A_47 = arith.constant 0 : i32
      %dma_start3A_48 = arith.constant 0 : i32
      %dma_start3A_49 = tpu.memref_slice %arg8[%run_scoped3A_14, %dma_start3A_47, %dma_start3A_48] : memref<2x128x128xf32, #tpu.memory_space<vmem>> -> memref<1x128x128xf32, #tpu.memory_space<vmem>>
      %dma_start3A_50 = tpu.memref_squeeze %dma_start3A_49 : memref<1x128x128xf32, #tpu.memory_space<vmem>> -> memref<128x128xf32, #tpu.memory_space<vmem>>
      tpu.enqueue_dma source(%dma_start3A_50 : memref<128x128xf32, #tpu.memory_space<vmem>>) target(%dma_start3A_46 : memref<128x128xf32, #tpu.memory_space<vmem_shared>>) target_semaphore(%run_scoped3A_39 : memref<!tpu.dma_semaphore, #tpu.memory_space<semaphore_mem>>)
      %dma_wait3A = arith.constant 0 : i32
      %dma_wait3A_51 = arith.constant 0 : i32
      %dma_wait3A_52 = tpu.memref_slice %arg8[%run_scoped3A_14, %dma_wait3A, %dma_wait3A_51] : memref<2x128x128xf32, #tpu.memory_space<vmem>> -> memref<1x128x128xf32, #tpu.memory_space<vmem>>
      %dma_wait3A_53 = tpu.memref_squeeze %dma_wait3A_52 : memref<1x128x128xf32, #tpu.memory_space<vmem>> -> memref<128x128xf32, #tpu.memory_space<vmem>>
      %dma_wait3A_54 = arith.constant 0 : i32
      %dma_wait3A_55 = tpu.memref_slice %arg9[%add3A_13, %dma_wait3A_54] : memref<10240x128xf32, #tpu.memory_space<vmem_shared>> -> memref<128x128xf32, #tpu.memory_space<vmem_shared>>
      %dma_wait3A_56 = arith.constant 0 : i32
      %dma_wait3A_57 = tpu.memref_slice %arg9[%add3A_13, %dma_wait3A_56] : memref<10240x128xf32, #tpu.memory_space<vmem_shared>> -> memref<128x128xf32, #tpu.memory_space<vmem_shared>>
      %dma_wait3A_58 = arith.constant 0 : i32
      %dma_wait3A_59 = arith.constant 0 : i32
      %dma_wait3A_60 = tpu.memref_slice %arg8[%run_scoped3A_14, %dma_wait3A_58, %dma_wait3A_59] : memref<2x128x128xf32, #tpu.memory_space<vmem>> -> memref<1x128x128xf32, #tpu.memory_space<vmem>>
      %dma_wait3A_61 = tpu.memref_squeeze %dma_wait3A_60 : memref<1x128x128xf32, #tpu.memory_space<vmem>> -> memref<128x128xf32, #tpu.memory_space<vmem>>
      tpu.wait_dma2 semaphore(%run_scoped3A_39 : memref<!tpu.dma_semaphore, #tpu.memory_space<semaphore_mem>>) src(%dma_wait3A_61 : memref<128x128xf32, #tpu.memory_space<vmem>>) dst(%dma_wait3A_57 : memref<128x128xf32, #tpu.memory_space<vmem_shared>>)
      tpu.yield
    }) : () -> ()
    %mul3A_15 = arith.constant 640 : i32
    %mul3A_16 = arith.muli %arg1, %mul3A_15 : i32
    %add3A_17 = arith.constant 256 : i32
    %add3A_18 = arith.addi %mul3A_16, %add3A_17 : i32
    %run_scoped3A_19 = arith.constant 0 : i32
    "tpu.region"() ({
      %run_scoped3A_39 = tpu.sem_alloc : memref<!tpu.dma_semaphore, #tpu.memory_space<semaphore_mem>>
      %dma_start3A = arith.constant 0 : i32
      %dma_start3A_40 = arith.constant 0 : i32
      %dma_start3A_41 = tpu.memref_slice %arg8[%run_scoped3A_19, %dma_start3A, %dma_start3A_40] : memref<2x128x128xf32, #tpu.memory_space<vmem>> -> memref<1x128x128xf32, #tpu.memory_space<vmem>>
      %dma_start3A_42 = tpu.memref_squeeze %dma_start3A_41 : memref<1x128x128xf32, #tpu.memory_space<vmem>> -> memref<128x128xf32, #tpu.memory_space<vmem>>
      %dma_start3A_43 = arith.constant 0 : i32
      %dma_start3A_44 = tpu.memref_slice %arg9[%add3A_18, %dma_start3A_43] : memref<10240x128xf32, #tpu.memory_space<vmem_shared>> -> memref<128x128xf32, #tpu.memory_space<vmem_shared>>
      %dma_start3A_45 = arith.constant 0 : i32
      %dma_start3A_46 = tpu.memref_slice %arg9[%add3A_18, %dma_start3A_45] : memref<10240x128xf32, #tpu.memory_space<vmem_shared>> -> memref<128x128xf32, #tpu.memory_space<vmem_shared>>
      %dma_start3A_47 = arith.constant 0 : i32
      %dma_start3A_48 = arith.constant 0 : i32
      %dma_start3A_49 = tpu.memref_slice %arg8[%run_scoped3A_19, %dma_start3A_47, %dma_start3A_48] : memref<2x128x128xf32, #tpu.memory_space<vmem>> -> memref<1x128x128xf32, #tpu.memory_space<vmem>>
      %dma_start3A_50 = tpu.memref_squeeze %dma_start3A_49 : memref<1x128x128xf32, #tpu.memory_space<vmem>> -> memref<128x128xf32, #tpu.memory_space<vmem>>
      tpu.enqueue_dma source(%dma_start3A_50 : memref<128x128xf32, #tpu.memory_space<vmem>>) target(%dma_start3A_46 : memref<128x128xf32, #tpu.memory_space<vmem_shared>>) target_semaphore(%run_scoped3A_39 : memref<!tpu.dma_semaphore, #tpu.memory_space<semaphore_mem>>)
      %dma_wait3A = arith.constant 0 : i32
      %dma_wait3A_51 = arith.constant 0 : i32
      %dma_wait3A_52 = tpu.memref_slice %arg8[%run_scoped3A_19, %dma_wait3A, %dma_wait3A_51] : memref<2x128x128xf32, #tpu.memory_space<vmem>> -> memref<1x128x128xf32, #tpu.memory_space<vmem>>
      %dma_wait3A_53 = tpu.memref_squeeze %dma_wait3A_52 : memref<1x128x128xf32, #tpu.memory_space<vmem>> -> memref<128x128xf32, #tpu.memory_space<vmem>>
      %dma_wait3A_54 = arith.constant 0 : i32
      %dma_wait3A_55 = tpu.memref_slice %arg9[%add3A_18, %dma_wait3A_54] : memref<10240x128xf32, #tpu.memory_space<vmem_shared>> -> memref<128x128xf32, #tpu.memory_space<vmem_shared>>
      %dma_wait3A_56 = arith.constant 0 : i32
      %dma_wait3A_57 = tpu.memref_slice %arg9[%add3A_18, %dma_wait3A_56] : memref<10240x128xf32, #tpu.memory_space<vmem_shared>> -> memref<128x128xf32, #tpu.memory_space<vmem_shared>>
      %dma_wait3A_58 = arith.constant 0 : i32
      %dma_wait3A_59 = arith.constant 0 : i32
      %dma_wait3A_60 = tpu.memref_slice %arg8[%run_scoped3A_19, %dma_wait3A_58, %dma_wait3A_59] : memref<2x128x128xf32, #tpu.memory_space<vmem>> -> memref<1x128x128xf32, #tpu.memory_space<vmem>>
      %dma_wait3A_61 = tpu.memref_squeeze %dma_wait3A_60 : memref<1x128x128xf32, #tpu.memory_space<vmem>> -> memref<128x128xf32, #tpu.memory_space<vmem>>
      tpu.wait_dma2 semaphore(%run_scoped3A_39 : memref<!tpu.dma_semaphore, #tpu.memory_space<semaphore_mem>>) src(%dma_wait3A_61 : memref<128x128xf32, #tpu.memory_space<vmem>>) dst(%dma_wait3A_57 : memref<128x128xf32, #tpu.memory_space<vmem_shared>>)
      tpu.yield
    }) : () -> ()
    %mul3A_20 = arith.constant 640 : i32
    %mul3A_21 = arith.muli %arg1, %mul3A_20 : i32
    %add3A_22 = arith.constant 384 : i32
    %add3A_23 = arith.addi %mul3A_21, %add3A_22 : i32
    %run_scoped3A_24 = arith.constant 0 : i32
    "tpu.region"() ({
      %run_scoped3A_39 = tpu.sem_alloc : memref<!tpu.dma_semaphore, #tpu.memory_space<semaphore_mem>>
      %dma_start3A = arith.constant 0 : i32
      %dma_start3A_40 = arith.constant 0 : i32
      %dma_start3A_41 = tpu.memref_slice %arg8[%run_scoped3A_24, %dma_start3A, %dma_start3A_40] : memref<2x128x128xf32, #tpu.memory_space<vmem>> -> memref<1x128x128xf32, #tpu.memory_space<vmem>>
      %dma_start3A_42 = tpu.memref_squeeze %dma_start3A_41 : memref<1x128x128xf32, #tpu.memory_space<vmem>> -> memref<128x128xf32, #tpu.memory_space<vmem>>
      %dma_start3A_43 = arith.constant 0 : i32
      %dma_start3A_44 = tpu.memref_slice %arg9[%add3A_23, %dma_start3A_43] : memref<10240x128xf32, #tpu.memory_space<vmem_shared>> -> memref<128x128xf32, #tpu.memory_space<vmem_shared>>
      %dma_start3A_45 = arith.constant 0 : i32
      %dma_start3A_46 = tpu.memref_slice %arg9[%add3A_23, %dma_start3A_45] : memref<10240x128xf32, #tpu.memory_space<vmem_shared>> -> memref<128x128xf32, #tpu.memory_space<vmem_shared>>
      %dma_start3A_47 = arith.constant 0 : i32
      %dma_start3A_48 = arith.constant 0 : i32
      %dma_start3A_49 = tpu.memref_slice %arg8[%run_scoped3A_24, %dma_start3A_47, %dma_start3A_48] : memref<2x128x128xf32, #tpu.memory_space<vmem>> -> memref<1x128x128xf32, #tpu.memory_space<vmem>>
      %dma_start3A_50 = tpu.memref_squeeze %dma_start3A_49 : memref<1x128x128xf32, #tpu.memory_space<vmem>> -> memref<128x128xf32, #tpu.memory_space<vmem>>
      tpu.enqueue_dma source(%dma_start3A_50 : memref<128x128xf32, #tpu.memory_space<vmem>>) target(%dma_start3A_46 : memref<128x128xf32, #tpu.memory_space<vmem_shared>>) target_semaphore(%run_scoped3A_39 : memref<!tpu.dma_semaphore, #tpu.memory_space<semaphore_mem>>)
      %dma_wait3A = arith.constant 0 : i32
      %dma_wait3A_51 = arith.constant 0 : i32
      %dma_wait3A_52 = tpu.memref_slice %arg8[%run_scoped3A_24, %dma_wait3A, %dma_wait3A_51] : memref<2x128x128xf32, #tpu.memory_space<vmem>> -> memref<1x128x128xf32, #tpu.memory_space<vmem>>
      %dma_wait3A_53 = tpu.memref_squeeze %dma_wait3A_52 : memref<1x128x128xf32, #tpu.memory_space<vmem>> -> memref<128x128xf32, #tpu.memory_space<vmem>>
      %dma_wait3A_54 = arith.constant 0 : i32
      %dma_wait3A_55 = tpu.memref_slice %arg9[%add3A_23, %dma_wait3A_54] : memref<10240x128xf32, #tpu.memory_space<vmem_shared>> -> memref<128x128xf32, #tpu.memory_space<vmem_shared>>
      %dma_wait3A_56 = arith.constant 0 : i32
      %dma_wait3A_57 = tpu.memref_slice %arg9[%add3A_23, %dma_wait3A_56] : memref<10240x128xf32, #tpu.memory_space<vmem_shared>> -> memref<128x128xf32, #tpu.memory_space<vmem_shared>>
      %dma_wait3A_58 = arith.constant 0 : i32
      %dma_wait3A_59 = arith.constant 0 : i32
      %dma_wait3A_60 = tpu.memref_slice %arg8[%run_scoped3A_24, %dma_wait3A_58, %dma_wait3A_59] : memref<2x128x128xf32, #tpu.memory_space<vmem>> -> memref<1x128x128xf32, #tpu.memory_space<vmem>>
      %dma_wait3A_61 = tpu.memref_squeeze %dma_wait3A_60 : memref<1x128x128xf32, #tpu.memory_space<vmem>> -> memref<128x128xf32, #tpu.memory_space<vmem>>
      tpu.wait_dma2 semaphore(%run_scoped3A_39 : memref<!tpu.dma_semaphore, #tpu.memory_space<semaphore_mem>>) src(%dma_wait3A_61 : memref<128x128xf32, #tpu.memory_space<vmem>>) dst(%dma_wait3A_57 : memref<128x128xf32, #tpu.memory_space<vmem_shared>>)
      tpu.yield
    }) : () -> ()
    %mul3A_25 = arith.constant 640 : i32
    %mul3A_26 = arith.muli %arg1, %mul3A_25 : i32
    %add3A_27 = arith.constant 512 : i32
    %add3A_28 = arith.addi %mul3A_26, %add3A_27 : i32
    %run_scoped3A_29 = arith.constant 0 : i32
    "tpu.region"() ({
      %run_scoped3A_39 = tpu.sem_alloc : memref<!tpu.dma_semaphore, #tpu.memory_space<semaphore_mem>>
      %dma_start3A = arith.constant 0 : i32
      %dma_start3A_40 = arith.constant 0 : i32
      %dma_start3A_41 = tpu.memref_slice %arg8[%run_scoped3A_29, %dma_start3A, %dma_start3A_40] : memref<2x128x128xf32, #tpu.memory_space<vmem>> -> memref<1x128x128xf32, #tpu.memory_space<vmem>>
      %dma_start3A_42 = tpu.memref_squeeze %dma_start3A_41 : memref<1x128x128xf32, #tpu.memory_space<vmem>> -> memref<128x128xf32, #tpu.memory_space<vmem>>
      %dma_start3A_43 = arith.constant 0 : i32
      %dma_start3A_44 = tpu.memref_slice %arg9[%add3A_28, %dma_start3A_43] : memref<10240x128xf32, #tpu.memory_space<vmem_shared>> -> memref<128x128xf32, #tpu.memory_space<vmem_shared>>
      %dma_start3A_45 = arith.constant 0 : i32
      %dma_start3A_46 = tpu.memref_slice %arg9[%add3A_28, %dma_start3A_45] : memref<10240x128xf32, #tpu.memory_space<vmem_shared>> -> memref<128x128xf32, #tpu.memory_space<vmem_shared>>
      %dma_start3A_47 = arith.constant 0 : i32
      %dma_start3A_48 = arith.constant 0 : i32
      %dma_start3A_49 = tpu.memref_slice %arg8[%run_scoped3A_29, %dma_start3A_47, %dma_start3A_48] : memref<2x128x128xf32, #tpu.memory_space<vmem>> -> memref<1x128x128xf32, #tpu.memory_space<vmem>>
      %dma_start3A_50 = tpu.memref_squeeze %dma_start3A_49 : memref<1x128x128xf32, #tpu.memory_space<vmem>> -> memref<128x128xf32, #tpu.memory_space<vmem>>
      tpu.enqueue_dma source(%dma_start3A_50 : memref<128x128xf32, #tpu.memory_space<vmem>>) target(%dma_start3A_46 : memref<128x128xf32, #tpu.memory_space<vmem_shared>>) target_semaphore(%run_scoped3A_39 : memref<!tpu.dma_semaphore, #tpu.memory_space<semaphore_mem>>)
      %dma_wait3A = arith.constant 0 : i32
      %dma_wait3A_51 = arith.constant 0 : i32
      %dma_wait3A_52 = tpu.memref_slice %arg8[%run_scoped3A_29, %dma_wait3A, %dma_wait3A_51] : memref<2x128x128xf32, #tpu.memory_space<vmem>> -> memref<1x128x128xf32, #tpu.memory_space<vmem>>
      %dma_wait3A_53 = tpu.memref_squeeze %dma_wait3A_52 : memref<1x128x128xf32, #tpu.memory_space<vmem>> -> memref<128x128xf32, #tpu.memory_space<vmem>>
      %dma_wait3A_54 = arith.constant 0 : i32
      %dma_wait3A_55 = tpu.memref_slice %arg9[%add3A_28, %dma_wait3A_54] : memref<10240x128xf32, #tpu.memory_space<vmem_shared>> -> memref<128x128xf32, #tpu.memory_space<vmem_shared>>
      %dma_wait3A_56 = arith.constant 0 : i32
      %dma_wait3A_57 = tpu.memref_slice %arg9[%add3A_28, %dma_wait3A_56] : memref<10240x128xf32, #tpu.memory_space<vmem_shared>> -> memref<128x128xf32, #tpu.memory_space<vmem_shared>>
      %dma_wait3A_58 = arith.constant 0 : i32
      %dma_wait3A_59 = arith.constant 0 : i32
      %dma_wait3A_60 = tpu.memref_slice %arg8[%run_scoped3A_29, %dma_wait3A_58, %dma_wait3A_59] : memref<2x128x128xf32, #tpu.memory_space<vmem>> -> memref<1x128x128xf32, #tpu.memory_space<vmem>>
      %dma_wait3A_61 = tpu.memref_squeeze %dma_wait3A_60 : memref<1x128x128xf32, #tpu.memory_space<vmem>> -> memref<128x128xf32, #tpu.memory_space<vmem>>
      tpu.wait_dma2 semaphore(%run_scoped3A_39 : memref<!tpu.dma_semaphore, #tpu.memory_space<semaphore_mem>>) src(%dma_wait3A_61 : memref<128x128xf32, #tpu.memory_space<vmem>>) dst(%dma_wait3A_57 : memref<128x128xf32, #tpu.memory_space<vmem_shared>>)
      tpu.yield
    }) : () -> ()
    %barrier3A = arith.constant 0 : index
    tpu.barrier barrier_id(%barrier3A)
    %scan3A_30 = arith.constant 0 : i32
    %scan3A_31 = arith.constant 0 : i32
    %scan3A_32 = arith.constant 5 : i32
    %scan3A_33 = arith.addi %scan3A_31, %scan3A_32 : i32
    %scan3A_34 = arith.constant 1 : i32
    scf.for %scan3A_39 = %scan3A_31 to %scan3A_33 step %scan3A_34  : i32 {
      "tpu.region"() ({
        %run_scoped3A_806 = tpu.sem_alloc : memref<!tpu.dma_semaphore, #tpu.memory_space<semaphore_mem>>
        %dma_start3A_807 = arith.constant 0 : i32
        %dma_start3A_808 = arith.constant 0 : i32
        %dma_start3A_809 = tpu.memref_slice %arg4[%add3A, %scan3A_39, %dma_start3A_807, %dma_start3A_808] : memref<32x5x16x128xi32, #tpu.memory_space<hbm>> -> memref<1x1x16x128xi32, #tpu.memory_space<hbm>>
        %dma_start3A_810 = tpu.memref_squeeze %dma_start3A_809 : memref<1x1x16x128xi32, #tpu.memory_space<hbm>> -> memref<16x128xi32, #tpu.memory_space<hbm>>
        %dma_start3A_811 = arith.constant 0 : i32
        %dma_start3A_812 = arith.constant 0 : i32
        %dma_start3A_813 = tpu.memref_slice %arg4[%add3A, %scan3A_39, %dma_start3A_811, %dma_start3A_812] : memref<32x5x16x128xi32, #tpu.memory_space<hbm>> -> memref<1x1x16x128xi32, #tpu.memory_space<hbm>>
        %dma_start3A_814 = tpu.memref_squeeze %dma_start3A_813 : memref<1x1x16x128xi32, #tpu.memory_space<hbm>> -> memref<16x128xi32, #tpu.memory_space<hbm>>
        tpu.enqueue_dma source(%dma_start3A_814 : memref<16x128xi32, #tpu.memory_space<hbm>>) target(%arg6 : memref<16x128xi32, #tpu.memory_space<vmem>>) target_semaphore(%run_scoped3A_806 : memref<!tpu.dma_semaphore, #tpu.memory_space<semaphore_mem>>)
        %dma_wait3A_815 = arith.constant 0 : i32
        %dma_wait3A_816 = arith.constant 0 : i32
        %dma_wait3A_817 = tpu.memref_slice %arg4[%add3A, %scan3A_39, %dma_wait3A_815, %dma_wait3A_816] : memref<32x5x16x128xi32, #tpu.memory_space<hbm>> -> memref<1x1x16x128xi32, #tpu.memory_space<hbm>>
        %dma_wait3A_818 = tpu.memref_squeeze %dma_wait3A_817 : memref<1x1x16x128xi32, #tpu.memory_space<hbm>> -> memref<16x128xi32, #tpu.memory_space<hbm>>
        %dma_wait3A_819 = arith.constant 0 : i32
        %dma_wait3A_820 = arith.constant 0 : i32
        %dma_wait3A_821 = tpu.memref_slice %arg4[%add3A, %scan3A_39, %dma_wait3A_819, %dma_wait3A_820] : memref<32x5x16x128xi32, #tpu.memory_space<hbm>> -> memref<1x1x16x128xi32, #tpu.memory_space<hbm>>
        %dma_wait3A_822 = tpu.memref_squeeze %dma_wait3A_821 : memref<1x1x16x128xi32, #tpu.memory_space<hbm>> -> memref<16x128xi32, #tpu.memory_space<hbm>>
        tpu.wait_dma2 semaphore(%run_scoped3A_806 : memref<!tpu.dma_semaphore, #tpu.memory_space<semaphore_mem>>) src(%dma_wait3A_822 : memref<16x128xi32, #tpu.memory_space<hbm>>) dst(%arg6 : memref<16x128xi32, #tpu.memory_space<vmem>>)
        tpu.yield
      }) : () -> ()
      "tpu.region"() ({
        %run_scoped3A_806 = tpu.sem_alloc : memref<!tpu.dma_semaphore, #tpu.memory_space<semaphore_mem>>
        %dma_start3A_807 = arith.constant 0 : i32
        %dma_start3A_808 = arith.constant 0 : i32
        %dma_start3A_809 = tpu.memref_slice %arg3[%add3A, %scan3A_39, %dma_start3A_807, %dma_start3A_808] : memref<32x5x16x128xi32, #tpu.memory_space<hbm>> -> memref<1x1x16x128xi32, #tpu.memory_space<hbm>>
        %dma_start3A_810 = tpu.memref_squeeze %dma_start3A_809 : memref<1x1x16x128xi32, #tpu.memory_space<hbm>> -> memref<16x128xi32, #tpu.memory_space<hbm>>
        %dma_start3A_811 = arith.constant 0 : i32
        %dma_start3A_812 = arith.constant 0 : i32
        %dma_start3A_813 = tpu.memref_slice %arg3[%add3A, %scan3A_39, %dma_start3A_811, %dma_start3A_812] : memref<32x5x16x128xi32, #tpu.memory_space<hbm>> -> memref<1x1x16x128xi32, #tpu.memory_space<hbm>>
        %dma_start3A_814 = tpu.memref_squeeze %dma_start3A_813 : memref<1x1x16x128xi32, #tpu.memory_space<hbm>> -> memref<16x128xi32, #tpu.memory_space<hbm>>
        tpu.enqueue_dma source(%dma_start3A_814 : memref<16x128xi32, #tpu.memory_space<hbm>>) target(%arg7 : memref<16x128xi32, #tpu.memory_space<vmem>>) target_semaphore(%run_scoped3A_806 : memref<!tpu.dma_semaphore, #tpu.memory_space<semaphore_mem>>)
        %dma_wait3A_815 = arith.constant 0 : i32
        %dma_wait3A_816 = arith.constant 0 : i32
        %dma_wait3A_817 = tpu.memref_slice %arg3[%add3A, %scan3A_39, %dma_wait3A_815, %dma_wait3A_816] : memref<32x5x16x128xi32, #tpu.memory_space<hbm>> -> memref<1x1x16x128xi32, #tpu.memory_space<hbm>>
        %dma_wait3A_818 = tpu.memref_squeeze %dma_wait3A_817 : memref<1x1x16x128xi32, #tpu.memory_space<hbm>> -> memref<16x128xi32, #tpu.memory_space<hbm>>
        %dma_wait3A_819 = arith.constant 0 : i32
        %dma_wait3A_820 = arith.constant 0 : i32
        %dma_wait3A_821 = tpu.memref_slice %arg3[%add3A, %scan3A_39, %dma_wait3A_819, %dma_wait3A_820] : memref<32x5x16x128xi32, #tpu.memory_space<hbm>> -> memref<1x1x16x128xi32, #tpu.memory_space<hbm>>
        %dma_wait3A_822 = tpu.memref_squeeze %dma_wait3A_821 : memref<1x1x16x128xi32, #tpu.memory_space<hbm>> -> memref<16x128xi32, #tpu.memory_space<hbm>>
        tpu.wait_dma2 semaphore(%run_scoped3A_806 : memref<!tpu.dma_semaphore, #tpu.memory_space<semaphore_mem>>) src(%dma_wait3A_822 : memref<16x128xi32, #tpu.memory_space<hbm>>) dst(%arg7 : memref<16x128xi32, #tpu.memory_space<vmem>>)
        tpu.yield
      }) : () -> ()
      %dma_start3A = arith.constant 0 : i32
      %dma_start3A_40 = arith.constant 0 : i32
      %dma_start3A_41 = arith.constant 0 : i32
      %dma_start3A_42 = arith.constant 0 : i32
      %dma_start3A_43 = tpu.memref_slice %arg8[%dma_start3A_40, %dma_start3A_41, %dma_start3A_42] : memref<2x128x128xf32, #tpu.memory_space<vmem>> -> memref<1x128x128xf32, #tpu.memory_space<vmem>>
      %dma_start3A_44 = tpu.memref_squeeze %dma_start3A_43 : memref<1x128x128xf32, #tpu.memory_space<vmem>> -> memref<128x128xf32, #tpu.memory_space<vmem>>
      %dma_start3A_45 = arith.constant 0 : i32
      %dma_start3A_46 = tpu.memref_slice %arg6[%dma_start3A, %dma_start3A_45] : memref<16x128xi32, #tpu.memory_space<vmem>> -> memref<1x128xi32, #tpu.memory_space<vmem>>
      %dma_start3A_47 = tpu.memref_squeeze %dma_start3A_46 : memref<1x128xi32, #tpu.memory_space<vmem>> -> memref<128xi32, #tpu.memory_space<vmem>>
      %dma_start3A_48 = arith.constant 0 : i32
      %dma_start3A_49 = arith.constant 0 : i32
      %dma_start3A_50 = tpu.memref_slice %arg2[%dma_start3A_48, %dma_start3A_49] : memref<10000x128xf32, #tpu.memory_space<hbm>> -> memref<10000x128xf32, #tpu.memory_space<hbm>>
      tpu.enqueue_indirect_dma source(%dma_start3A_50 : memref<10000x128xf32, #tpu.memory_space<hbm>>) target(%dma_start3A_44 : memref<128x128xf32, #tpu.memory_space<vmem>>) offsets(%dma_start3A_47 : memref<128xi32, #tpu.memory_space<vmem>>) semaphore(%arg10 : memref<!tpu.dma_semaphore, #tpu.memory_space<semaphore_mem>>)
      %dma_start3A_51 = arith.constant 1 : i32
      %dma_start3A_52 = arith.constant 1 : i32
      %dma_start3A_53 = arith.constant 0 : i32
      %dma_start3A_54 = arith.constant 0 : i32
      %dma_start3A_55 = tpu.memref_slice %arg8[%dma_start3A_52, %dma_start3A_53, %dma_start3A_54] : memref<2x128x128xf32, #tpu.memory_space<vmem>> -> memref<1x128x128xf32, #tpu.memory_space<vmem>>
      %dma_start3A_56 = tpu.memref_squeeze %dma_start3A_55 : memref<1x128x128xf32, #tpu.memory_space<vmem>> -> memref<128x128xf32, #tpu.memory_space<vmem>>
      %dma_start3A_57 = arith.constant 0 : i32
      %dma_start3A_58 = tpu.memref_slice %arg6[%dma_start3A_51, %dma_start3A_57] : memref<16x128xi32, #tpu.memory_space<vmem>> -> memref<1x128xi32, #tpu.memory_space<vmem>>
      %dma_start3A_59 = tpu.memref_squeeze %dma_start3A_58 : memref<1x128xi32, #tpu.memory_space<vmem>> -> memref<128xi32, #tpu.memory_space<vmem>>
      %dma_start3A_60 = arith.constant 0 : i32
      %dma_start3A_61 = arith.constant 0 : i32
      %dma_start3A_62 = tpu.memref_slice %arg2[%dma_start3A_60, %dma_start3A_61] : memref<10000x128xf32, #tpu.memory_space<hbm>> -> memref<10000x128xf32, #tpu.memory_space<hbm>>
      tpu.enqueue_indirect_dma source(%dma_start3A_62 : memref<10000x128xf32, #tpu.memory_space<hbm>>) target(%dma_start3A_56 : memref<128x128xf32, #tpu.memory_space<vmem>>) offsets(%dma_start3A_59 : memref<128xi32, #tpu.memory_space<vmem>>) semaphore(%arg10 : memref<!tpu.dma_semaphore, #tpu.memory_space<semaphore_mem>>)
      %dma_wait3A = arith.constant 0 : i32
      %dma_wait3A_63 = arith.constant 0 : i32
      %dma_wait3A_64 = arith.constant 0 : i32
      %dma_wait3A_65 = arith.constant 0 : i32
      %dma_wait3A_66 = tpu.memref_slice %arg8[%dma_wait3A_63, %dma_wait3A_64, %dma_wait3A_65] : memref<2x128x128xf32, #tpu.memory_space<vmem>> -> memref<1x128x128xf32, #tpu.memory_space<vmem>>
      %dma_wait3A_67 = tpu.memref_squeeze %dma_wait3A_66 : memref<1x128x128xf32, #tpu.memory_space<vmem>> -> memref<128x128xf32, #tpu.memory_space<vmem>>
      %dma_wait3A_68 = arith.constant 0 : i32
      %dma_wait3A_69 = tpu.memref_slice %arg6[%dma_wait3A, %dma_wait3A_68] : memref<16x128xi32, #tpu.memory_space<vmem>> -> memref<1x128xi32, #tpu.memory_space<vmem>>
      %dma_wait3A_70 = tpu.memref_squeeze %dma_wait3A_69 : memref<1x128xi32, #tpu.memory_space<vmem>> -> memref<128xi32, #tpu.memory_space<vmem>>
      %dma_wait3A_71 = arith.constant 0 : i32
      %dma_wait3A_72 = arith.constant 0 : i32
      %dma_wait3A_73 = tpu.memref_slice %arg2[%dma_wait3A_71, %dma_wait3A_72] : memref<10000x128xf32, #tpu.memory_space<hbm>> -> memref<10000x128xf32, #tpu.memory_space<hbm>>
      tpu.wait_indirect_dma semaphore(%arg10 : memref<!tpu.dma_semaphore, #tpu.memory_space<semaphore_mem>>) src(%dma_wait3A_73 : memref<10000x128xf32, #tpu.memory_space<hbm>>) dst(%dma_wait3A_67 : memref<128x128xf32, #tpu.memory_space<vmem>>)
      %dma_start3A_74 = arith.constant 0 : i32
      %dma_start3A_75 = arith.constant 0 : i32
      %dma_start3A_76 = arith.constant 0 : i32
      %dma_start3A_77 = arith.constant 0 : i32
      %dma_start3A_78 = tpu.memref_slice %arg8[%dma_start3A_74, %dma_start3A_76, %dma_start3A_77] : memref<2x128x128xf32, #tpu.memory_space<vmem>> -> memref<1x128x128xf32, #tpu.memory_space<vmem>>
      %dma_start3A_79 = tpu.memref_squeeze %dma_start3A_78 : memref<1x128x128xf32, #tpu.memory_space<vmem>> -> memref<128x128xf32, #tpu.memory_space<vmem>>
      %dma_start3A_80 = arith.constant 0 : i32
      %dma_start3A_81 = tpu.memref_slice %arg7[%dma_start3A_75, %dma_start3A_80] : memref<16x128xi32, #tpu.memory_space<vmem>> -> memref<1x128xi32, #tpu.memory_space<vmem>>
      %dma_start3A_82 = tpu.memref_squeeze %dma_start3A_81 : memref<1x128xi32, #tpu.memory_space<vmem>> -> memref<128xi32, #tpu.memory_space<vmem>>
      %dma_start3A_83 = arith.constant 0 : i32
      %dma_start3A_84 = arith.constant 0 : i32
      %dma_start3A_85 = tpu.memref_slice %arg9[%dma_start3A_83, %dma_start3A_84] : memref<10240x128xf32, #tpu.memory_space<vmem_shared>> -> memref<10240x128xf32, #tpu.memory_space<vmem_shared>>
      tpu.enqueue_indirect_dma source(%dma_start3A_79 : memref<128x128xf32, #tpu.memory_space<vmem>>) target(%dma_start3A_85 : memref<10240x128xf32, #tpu.memory_space<vmem_shared>>) offsets(%dma_start3A_82 : memref<128xi32, #tpu.memory_space<vmem>>) semaphore(%arg11 : memref<!tpu.dma_semaphore, #tpu.memory_space<semaphore_mem>>) {add = true}
      %dma_wait3A_86 = arith.constant 0 : i32
      %dma_wait3A_87 = arith.constant 0 : i32
      %dma_wait3A_88 = arith.constant 0 : i32
      %dma_wait3A_89 = arith.constant 0 : i32
      %dma_wait3A_90 = tpu.memref_slice %arg8[%dma_wait3A_86, %dma_wait3A_88, %dma_wait3A_89] : memref<2x128x128xf32, #tpu.memory_space<vmem>> -> memref<1x128x128xf32, #tpu.memory_space<vmem>>
      %dma_wait3A_91 = tpu.memref_squeeze %dma_wait3A_90 : memref<1x128x128xf32, #tpu.memory_space<vmem>> -> memref<128x128xf32, #tpu.memory_space<vmem>>
      %dma_wait3A_92 = arith.constant 0 : i32
      %dma_wait3A_93 = tpu.memref_slice %arg7[%dma_wait3A_87, %dma_wait3A_92] : memref<16x128xi32, #tpu.memory_space<vmem>> -> memref<1x128xi32, #tpu.memory_space<vmem>>
      %dma_wait3A_94 = tpu.memref_squeeze %dma_wait3A_93 : memref<1x128xi32, #tpu.memory_space<vmem>> -> memref<128xi32, #tpu.memory_space<vmem>>
      %dma_wait3A_95 = arith.constant 0 : i32
      %dma_wait3A_96 = arith.constant 0 : i32
      %dma_wait3A_97 = tpu.memref_slice %arg9[%dma_wait3A_95, %dma_wait3A_96] : memref<10240x128xf32, #tpu.memory_space<vmem_shared>> -> memref<10240x128xf32, #tpu.memory_space<vmem_shared>>
      tpu.wait_indirect_dma semaphore(%arg11 : memref<!tpu.dma_semaphore, #tpu.memory_space<semaphore_mem>>) src(%dma_wait3A_91 : memref<128x128xf32, #tpu.memory_space<vmem>>) dst(%dma_wait3A_97 : memref<10240x128xf32, #tpu.memory_space<vmem_shared>>)
      %dma_start3A_98 = arith.constant 2 : i32
      %dma_start3A_99 = arith.constant 0 : i32
      %dma_start3A_100 = arith.constant 0 : i32
      %dma_start3A_101 = arith.constant 0 : i32
      %dma_start3A_102 = tpu.memref_slice %arg8[%dma_start3A_99, %dma_start3A_100, %dma_start3A_101] : memref<2x128x128xf32, #tpu.memory_space<vmem>> -> memref<1x128x128xf32, #tpu.memory_space<vmem>>
      %dma_start3A_103 = tpu.memref_squeeze %dma_start3A_102 : memref<1x128x128xf32, #tpu.memory_space<vmem>> -> memref<128x128xf32, #tpu.memory_space<vmem>>
      %dma_start3A_104 = arith.constant 0 : i32
      %dma_start3A_105 = tpu.memref_slice %arg6[%dma_start3A_98, %dma_start3A_104] : memref<16x128xi32, #tpu.memory_space<vmem>> -> memref<1x128xi32, #tpu.memory_space<vmem>>
      %dma_start3A_106 = tpu.memref_squeeze %dma_start3A_105 : memref<1x128xi32, #tpu.memory_space<vmem>> -> memref<128xi32, #tpu.memory_space<vmem>>
      %dma_start3A_107 = arith.constant 0 : i32
      %dma_start3A_108 = arith.constant 0 : i32
      %dma_start3A_109 = tpu.memref_slice %arg2[%dma_start3A_107, %dma_start3A_108] : memref<10000x128xf32, #tpu.memory_space<hbm>> -> memref<10000x128xf32, #tpu.memory_space<hbm>>
      tpu.enqueue_indirect_dma source(%dma_start3A_109 : memref<10000x128xf32, #tpu.memory_space<hbm>>) target(%dma_start3A_103 : memref<128x128xf32, #tpu.memory_space<vmem>>) offsets(%dma_start3A_106 : memref<128xi32, #tpu.memory_space<vmem>>) semaphore(%arg10 : memref<!tpu.dma_semaphore, #tpu.memory_space<semaphore_mem>>)
      %dma_wait3A_110 = arith.constant 1 : i32
      %dma_wait3A_111 = arith.constant 1 : i32
      %dma_wait3A_112 = arith.constant 0 : i32
      %dma_wait3A_113 = arith.constant 0 : i32
      %dma_wait3A_114 = tpu.memref_slice %arg8[%dma_wait3A_111, %dma_wait3A_112, %dma_wait3A_113] : memref<2x128x128xf32, #tpu.memory_space<vmem>> -> memref<1x128x128xf32, #tpu.memory_space<vmem>>
      %dma_wait3A_115 = tpu.memref_squeeze %dma_wait3A_114 : memref<1x128x128xf32, #tpu.memory_space<vmem>> -> memref<128x128xf32, #tpu.memory_space<vmem>>
      %dma_wait3A_116 = arith.constant 0 : i32
      %dma_wait3A_117 = tpu.memref_slice %arg6[%dma_wait3A_110, %dma_wait3A_116] : memref<16x128xi32, #tpu.memory_space<vmem>> -> memref<1x128xi32, #tpu.memory_space<vmem>>
      %dma_wait3A_118 = tpu.memref_squeeze %dma_wait3A_117 : memref<1x128xi32, #tpu.memory_space<vmem>> -> memref<128xi32, #tpu.memory_space<vmem>>
      %dma_wait3A_119 = arith.constant 0 : i32
      %dma_wait3A_120 = arith.constant 0 : i32
      %dma_wait3A_121 = tpu.memref_slice %arg2[%dma_wait3A_119, %dma_wait3A_120] : memref<10000x128xf32, #tpu.memory_space<hbm>> -> memref<10000x128xf32, #tpu.memory_space<hbm>>
      tpu.wait_indirect_dma semaphore(%arg10 : memref<!tpu.dma_semaphore, #tpu.memory_space<semaphore_mem>>) src(%dma_wait3A_121 : memref<10000x128xf32, #tpu.memory_space<hbm>>) dst(%dma_wait3A_115 : memref<128x128xf32, #tpu.memory_space<vmem>>)
      %dma_start3A_122 = arith.constant 1 : i32
      %dma_start3A_123 = arith.constant 1 : i32
      %dma_start3A_124 = arith.constant 0 : i32
      %dma_start3A_125 = arith.constant 0 : i32
      %dma_start3A_126 = tpu.memref_slice %arg8[%dma_start3A_122, %dma_start3A_124, %dma_start3A_125] : memref<2x128x128xf32, #tpu.memory_space<vmem>> -> memref<1x128x128xf32, #tpu.memory_space<vmem>>
      %dma_start3A_127 = tpu.memref_squeeze %dma_start3A_126 : memref<1x128x128xf32, #tpu.memory_space<vmem>> -> memref<128x128xf32, #tpu.memory_space<vmem>>
      %dma_start3A_128 = arith.constant 0 : i32
      %dma_start3A_129 = tpu.memref_slice %arg7[%dma_start3A_123, %dma_start3A_128] : memref<16x128xi32, #tpu.memory_space<vmem>> -> memref<1x128xi32, #tpu.memory_space<vmem>>
      %dma_start3A_130 = tpu.memref_squeeze %dma_start3A_129 : memref<1x128xi32, #tpu.memory_space<vmem>> -> memref<128xi32, #tpu.memory_space<vmem>>
      %dma_start3A_131 = arith.constant 0 : i32
      %dma_start3A_132 = arith.constant 0 : i32
      %dma_start3A_133 = tpu.memref_slice %arg9[%dma_start3A_131, %dma_start3A_132] : memref<10240x128xf32, #tpu.memory_space<vmem_shared>> -> memref<10240x128xf32, #tpu.memory_space<vmem_shared>>
      tpu.enqueue_indirect_dma source(%dma_start3A_127 : memref<128x128xf32, #tpu.memory_space<vmem>>) target(%dma_start3A_133 : memref<10240x128xf32, #tpu.memory_space<vmem_shared>>) offsets(%dma_start3A_130 : memref<128xi32, #tpu.memory_space<vmem>>) semaphore(%arg11 : memref<!tpu.dma_semaphore, #tpu.memory_space<semaphore_mem>>) {add = true}
      %dma_wait3A_134 = arith.constant 1 : i32
      %dma_wait3A_135 = arith.constant 1 : i32
      %dma_wait3A_136 = arith.constant 0 : i32
      %dma_wait3A_137 = arith.constant 0 : i32
      %dma_wait3A_138 = tpu.memref_slice %arg8[%dma_wait3A_134, %dma_wait3A_136, %dma_wait3A_137] : memref<2x128x128xf32, #tpu.memory_space<vmem>> -> memref<1x128x128xf32, #tpu.memory_space<vmem>>
      %dma_wait3A_139 = tpu.memref_squeeze %dma_wait3A_138 : memref<1x128x128xf32, #tpu.memory_space<vmem>> -> memref<128x128xf32, #tpu.memory_space<vmem>>
      %dma_wait3A_140 = arith.constant 0 : i32
      %dma_wait3A_141 = tpu.memref_slice %arg7[%dma_wait3A_135, %dma_wait3A_140] : memref<16x128xi32, #tpu.memory_space<vmem>> -> memref<1x128xi32, #tpu.memory_space<vmem>>
      %dma_wait3A_142 = tpu.memref_squeeze %dma_wait3A_141 : memref<1x128xi32, #tpu.memory_space<vmem>> -> memref<128xi32, #tpu.memory_space<vmem>>
      %dma_wait3A_143 = arith.constant 0 : i32
      %dma_wait3A_144 = arith.constant 0 : i32
      %dma_wait3A_145 = tpu.memref_slice %arg9[%dma_wait3A_143, %dma_wait3A_144] : memref<10240x128xf32, #tpu.memory_space<vmem_shared>> -> memref<10240x128xf32, #tpu.memory_space<vmem_shared>>
      tpu.wait_indirect_dma semaphore(%arg11 : memref<!tpu.dma_semaphore, #tpu.memory_space<semaphore_mem>>) src(%dma_wait3A_139 : memref<128x128xf32, #tpu.memory_space<vmem>>) dst(%dma_wait3A_145 : memref<10240x128xf32, #tpu.memory_space<vmem_shared>>)
      %dma_start3A_146 = arith.constant 3 : i32
      %dma_start3A_147 = arith.constant 1 : i32
      %dma_start3A_148 = arith.constant 0 : i32
      %dma_start3A_149 = arith.constant 0 : i32
      %dma_start3A_150 = tpu.memref_slice %arg8[%dma_start3A_147, %dma_start3A_148, %dma_start3A_149] : memref<2x128x128xf32, #tpu.memory_space<vmem>> -> memref<1x128x128xf32, #tpu.memory_space<vmem>>
      %dma_start3A_151 = tpu.memref_squeeze %dma_start3A_150 : memref<1x128x128xf32, #tpu.memory_space<vmem>> -> memref<128x128xf32, #tpu.memory_space<vmem>>
      %dma_start3A_152 = arith.constant 0 : i32
      %dma_start3A_153 = tpu.memref_slice %arg6[%dma_start3A_146, %dma_start3A_152] : memref<16x128xi32, #tpu.memory_space<vmem>> -> memref<1x128xi32, #tpu.memory_space<vmem>>
      %dma_start3A_154 = tpu.memref_squeeze %dma_start3A_153 : memref<1x128xi32, #tpu.memory_space<vmem>> -> memref<128xi32, #tpu.memory_space<vmem>>
      %dma_start3A_155 = arith.constant 0 : i32
      %dma_start3A_156 = arith.constant 0 : i32
      %dma_start3A_157 = tpu.memref_slice %arg2[%dma_start3A_155, %dma_start3A_156] : memref<10000x128xf32, #tpu.memory_space<hbm>> -> memref<10000x128xf32, #tpu.memory_space<hbm>>
      tpu.enqueue_indirect_dma source(%dma_start3A_157 : memref<10000x128xf32, #tpu.memory_space<hbm>>) target(%dma_start3A_151 : memref<128x128xf32, #tpu.memory_space<vmem>>) offsets(%dma_start3A_154 : memref<128xi32, #tpu.memory_space<vmem>>) semaphore(%arg10 : memref<!tpu.dma_semaphore, #tpu.memory_space<semaphore_mem>>)
      %dma_wait3A_158 = arith.constant 2 : i32
      %dma_wait3A_159 = arith.constant 0 : i32
      %dma_wait3A_160 = arith.constant 0 : i32
      %dma_wait3A_161 = arith.constant 0 : i32
      %dma_wait3A_162 = tpu.memref_slice %arg8[%dma_wait3A_159, %dma_wait3A_160, %dma_wait3A_161] : memref<2x128x128xf32, #tpu.memory_space<vmem>> -> memref<1x128x128xf32, #tpu.memory_space<vmem>>
      %dma_wait3A_163 = tpu.memref_squeeze %dma_wait3A_162 : memref<1x128x128xf32, #tpu.memory_space<vmem>> -> memref<128x128xf32, #tpu.memory_space<vmem>>
      %dma_wait3A_164 = arith.constant 0 : i32
      %dma_wait3A_165 = tpu.memref_slice %arg6[%dma_wait3A_158, %dma_wait3A_164] : memref<16x128xi32, #tpu.memory_space<vmem>> -> memref<1x128xi32, #tpu.memory_space<vmem>>
      %dma_wait3A_166 = tpu.memref_squeeze %dma_wait3A_165 : memref<1x128xi32, #tpu.memory_space<vmem>> -> memref<128xi32, #tpu.memory_space<vmem>>
      %dma_wait3A_167 = arith.constant 0 : i32
      %dma_wait3A_168 = arith.constant 0 : i32
      %dma_wait3A_169 = tpu.memref_slice %arg2[%dma_wait3A_167, %dma_wait3A_168] : memref<10000x128xf32, #tpu.memory_space<hbm>> -> memref<10000x128xf32, #tpu.memory_space<hbm>>
      tpu.wait_indirect_dma semaphore(%arg10 : memref<!tpu.dma_semaphore, #tpu.memory_space<semaphore_mem>>) src(%dma_wait3A_169 : memref<10000x128xf32, #tpu.memory_space<hbm>>) dst(%dma_wait3A_163 : memref<128x128xf32, #tpu.memory_space<vmem>>)
      %dma_start3A_170 = arith.constant 0 : i32
      %dma_start3A_171 = arith.constant 2 : i32
      %dma_start3A_172 = arith.constant 0 : i32
      %dma_start3A_173 = arith.constant 0 : i32
      %dma_start3A_174 = tpu.memref_slice %arg8[%dma_start3A_170, %dma_start3A_172, %dma_start3A_173] : memref<2x128x128xf32, #tpu.memory_space<vmem>> -> memref<1x128x128xf32, #tpu.memory_space<vmem>>
      %dma_start3A_175 = tpu.memref_squeeze %dma_start3A_174 : memref<1x128x128xf32, #tpu.memory_space<vmem>> -> memref<128x128xf32, #tpu.memory_space<vmem>>
      %dma_start3A_176 = arith.constant 0 : i32
      %dma_start3A_177 = tpu.memref_slice %arg7[%dma_start3A_171, %dma_start3A_176] : memref<16x128xi32, #tpu.memory_space<vmem>> -> memref<1x128xi32, #tpu.memory_space<vmem>>
      %dma_start3A_178 = tpu.memref_squeeze %dma_start3A_177 : memref<1x128xi32, #tpu.memory_space<vmem>> -> memref<128xi32, #tpu.memory_space<vmem>>
      %dma_start3A_179 = arith.constant 0 : i32
      %dma_start3A_180 = arith.constant 0 : i32
      %dma_start3A_181 = tpu.memref_slice %arg9[%dma_start3A_179, %dma_start3A_180] : memref<10240x128xf32, #tpu.memory_space<vmem_shared>> -> memref<10240x128xf32, #tpu.memory_space<vmem_shared>>
      tpu.enqueue_indirect_dma source(%dma_start3A_175 : memref<128x128xf32, #tpu.memory_space<vmem>>) target(%dma_start3A_181 : memref<10240x128xf32, #tpu.memory_space<vmem_shared>>) offsets(%dma_start3A_178 : memref<128xi32, #tpu.memory_space<vmem>>) semaphore(%arg11 : memref<!tpu.dma_semaphore, #tpu.memory_space<semaphore_mem>>) {add = true}
      %dma_wait3A_182 = arith.constant 0 : i32
      %dma_wait3A_183 = arith.constant 2 : i32
      %dma_wait3A_184 = arith.constant 0 : i32
      %dma_wait3A_185 = arith.constant 0 : i32
      %dma_wait3A_186 = tpu.memref_slice %arg8[%dma_wait3A_182, %dma_wait3A_184, %dma_wait3A_185] : memref<2x128x128xf32, #tpu.memory_space<vmem>> -> memref<1x128x128xf32, #tpu.memory_space<vmem>>
      %dma_wait3A_187 = tpu.memref_squeeze %dma_wait3A_186 : memref<1x128x128xf32, #tpu.memory_space<vmem>> -> memref<128x128xf32, #tpu.memory_space<vmem>>
      %dma_wait3A_188 = arith.constant 0 : i32
      %dma_wait3A_189 = tpu.memref_slice %arg7[%dma_wait3A_183, %dma_wait3A_188] : memref<16x128xi32, #tpu.memory_space<vmem>> -> memref<1x128xi32, #tpu.memory_space<vmem>>
      %dma_wait3A_190 = tpu.memref_squeeze %dma_wait3A_189 : memref<1x128xi32, #tpu.memory_space<vmem>> -> memref<128xi32, #tpu.memory_space<vmem>>
      %dma_wait3A_191 = arith.constant 0 : i32
      %dma_wait3A_192 = arith.constant 0 : i32
      %dma_wait3A_193 = tpu.memref_slice %arg9[%dma_wait3A_191, %dma_wait3A_192] : memref<10240x128xf32, #tpu.memory_space<vmem_shared>> -> memref<10240x128xf32, #tpu.memory_space<vmem_shared>>
      tpu.wait_indirect_dma semaphore(%arg11 : memref<!tpu.dma_semaphore, #tpu.memory_space<semaphore_mem>>) src(%dma_wait3A_187 : memref<128x128xf32, #tpu.memory_space<vmem>>) dst(%dma_wait3A_193 : memref<10240x128xf32, #tpu.memory_space<vmem_shared>>)
      %dma_start3A_194 = arith.constant 4 : i32
      %dma_start3A_195 = arith.constant 0 : i32
      %dma_start3A_196 = arith.constant 0 : i32
      %dma_start3A_197 = arith.constant 0 : i32
      %dma_start3A_198 = tpu.memref_slice %arg8[%dma_start3A_195, %dma_start3A_196, %dma_start3A_197] : memref<2x128x128xf32, #tpu.memory_space<vmem>> -> memref<1x128x128xf32, #tpu.memory_space<vmem>>
      %dma_start3A_199 = tpu.memref_squeeze %dma_start3A_198 : memref<1x128x128xf32, #tpu.memory_space<vmem>> -> memref<128x128xf32, #tpu.memory_space<vmem>>
      %dma_start3A_200 = arith.constant 0 : i32
      %dma_start3A_201 = tpu.memref_slice %arg6[%dma_start3A_194, %dma_start3A_200] : memref<16x128xi32, #tpu.memory_space<vmem>> -> memref<1x128xi32, #tpu.memory_space<vmem>>
      %dma_start3A_202 = tpu.memref_squeeze %dma_start3A_201 : memref<1x128xi32, #tpu.memory_space<vmem>> -> memref<128xi32, #tpu.memory_space<vmem>>
      %dma_start3A_203 = arith.constant 0 : i32
      %dma_start3A_204 = arith.constant 0 : i32
      %dma_start3A_205 = tpu.memref_slice %arg2[%dma_start3A_203, %dma_start3A_204] : memref<10000x128xf32, #tpu.memory_space<hbm>> -> memref<10000x128xf32, #tpu.memory_space<hbm>>
      tpu.enqueue_indirect_dma source(%dma_start3A_205 : memref<10000x128xf32, #tpu.memory_space<hbm>>) target(%dma_start3A_199 : memref<128x128xf32, #tpu.memory_space<vmem>>) offsets(%dma_start3A_202 : memref<128xi32, #tpu.memory_space<vmem>>) semaphore(%arg10 : memref<!tpu.dma_semaphore, #tpu.memory_space<semaphore_mem>>)
      %dma_wait3A_206 = arith.constant 3 : i32
      %dma_wait3A_207 = arith.constant 1 : i32
      %dma_wait3A_208 = arith.constant 0 : i32
      %dma_wait3A_209 = arith.constant 0 : i32
      %dma_wait3A_210 = tpu.memref_slice %arg8[%dma_wait3A_207, %dma_wait3A_208, %dma_wait3A_209] : memref<2x128x128xf32, #tpu.memory_space<vmem>> -> memref<1x128x128xf32, #tpu.memory_space<vmem>>
      %dma_wait3A_211 = tpu.memref_squeeze %dma_wait3A_210 : memref<1x128x128xf32, #tpu.memory_space<vmem>> -> memref<128x128xf32, #tpu.memory_space<vmem>>
      %dma_wait3A_212 = arith.constant 0 : i32
      %dma_wait3A_213 = tpu.memref_slice %arg6[%dma_wait3A_206, %dma_wait3A_212] : memref<16x128xi32, #tpu.memory_space<vmem>> -> memref<1x128xi32, #tpu.memory_space<vmem>>
      %dma_wait3A_214 = tpu.memref_squeeze %dma_wait3A_213 : memref<1x128xi32, #tpu.memory_space<vmem>> -> memref<128xi32, #tpu.memory_space<vmem>>
      %dma_wait3A_215 = arith.constant 0 : i32
      %dma_wait3A_216 = arith.constant 0 : i32
      %dma_wait3A_217 = tpu.memref_slice %arg2[%dma_wait3A_215, %dma_wait3A_216] : memref<10000x128xf32, #tpu.memory_space<hbm>> -> memref<10000x128xf32, #tpu.memory_space<hbm>>
      tpu.wait_indirect_dma semaphore(%arg10 : memref<!tpu.dma_semaphore, #tpu.memory_space<semaphore_mem>>) src(%dma_wait3A_217 : memref<10000x128xf32, #tpu.memory_space<hbm>>) dst(%dma_wait3A_211 : memref<128x128xf32, #tpu.memory_space<vmem>>)
      %dma_start3A_218 = arith.constant 1 : i32
      %dma_start3A_219 = arith.constant 3 : i32
      %dma_start3A_220 = arith.constant 0 : i32
      %dma_start3A_221 = arith.constant 0 : i32
      %dma_start3A_222 = tpu.memref_slice %arg8[%dma_start3A_218, %dma_start3A_220, %dma_start3A_221] : memref<2x128x128xf32, #tpu.memory_space<vmem>> -> memref<1x128x128xf32, #tpu.memory_space<vmem>>
      %dma_start3A_223 = tpu.memref_squeeze %dma_start3A_222 : memref<1x128x128xf32, #tpu.memory_space<vmem>> -> memref<128x128xf32, #tpu.memory_space<vmem>>
      %dma_start3A_224 = arith.constant 0 : i32
      %dma_start3A_225 = tpu.memref_slice %arg7[%dma_start3A_219, %dma_start3A_224] : memref<16x128xi32, #tpu.memory_space<vmem>> -> memref<1x128xi32, #tpu.memory_space<vmem>>
      %dma_start3A_226 = tpu.memref_squeeze %dma_start3A_225 : memref<1x128xi32, #tpu.memory_space<vmem>> -> memref<128xi32, #tpu.memory_space<vmem>>
      %dma_start3A_227 = arith.constant 0 : i32
      %dma_start3A_228 = arith.constant 0 : i32
      %dma_start3A_229 = tpu.memref_slice %arg9[%dma_start3A_227, %dma_start3A_228] : memref<10240x128xf32, #tpu.memory_space<vmem_shared>> -> memref<10240x128xf32, #tpu.memory_space<vmem_shared>>
      tpu.enqueue_indirect_dma source(%dma_start3A_223 : memref<128x128xf32, #tpu.memory_space<vmem>>) target(%dma_start3A_229 : memref<10240x128xf32, #tpu.memory_space<vmem_shared>>) offsets(%dma_start3A_226 : memref<128xi32, #tpu.memory_space<vmem>>) semaphore(%arg11 : memref<!tpu.dma_semaphore, #tpu.memory_space<semaphore_mem>>) {add = true}
      %dma_wait3A_230 = arith.constant 1 : i32
      %dma_wait3A_231 = arith.constant 3 : i32
      %dma_wait3A_232 = arith.constant 0 : i32
      %dma_wait3A_233 = arith.constant 0 : i32
      %dma_wait3A_234 = tpu.memref_slice %arg8[%dma_wait3A_230, %dma_wait3A_232, %dma_wait3A_233] : memref<2x128x128xf32, #tpu.memory_space<vmem>> -> memref<1x128x128xf32, #tpu.memory_space<vmem>>
      %dma_wait3A_235 = tpu.memref_squeeze %dma_wait3A_234 : memref<1x128x128xf32, #tpu.memory_space<vmem>> -> memref<128x128xf32, #tpu.memory_space<vmem>>
      %dma_wait3A_236 = arith.constant 0 : i32
      %dma_wait3A_237 = tpu.memref_slice %arg7[%dma_wait3A_231, %dma_wait3A_236] : memref<16x128xi32, #tpu.memory_space<vmem>> -> memref<1x128xi32, #tpu.memory_space<vmem>>
      %dma_wait3A_238 = tpu.memref_squeeze %dma_wait3A_237 : memref<1x128xi32, #tpu.memory_space<vmem>> -> memref<128xi32, #tpu.memory_space<vmem>>
      %dma_wait3A_239 = arith.constant 0 : i32
      %dma_wait3A_240 = arith.constant 0 : i32
      %dma_wait3A_241 = tpu.memref_slice %arg9[%dma_wait3A_239, %dma_wait3A_240] : memref<10240x128xf32, #tpu.memory_space<vmem_shared>> -> memref<10240x128xf32, #tpu.memory_space<vmem_shared>>
      tpu.wait_indirect_dma semaphore(%arg11 : memref<!tpu.dma_semaphore, #tpu.memory_space<semaphore_mem>>) src(%dma_wait3A_235 : memref<128x128xf32, #tpu.memory_space<vmem>>) dst(%dma_wait3A_241 : memref<10240x128xf32, #tpu.memory_space<vmem_shared>>)
      %dma_start3A_242 = arith.constant 5 : i32
      %dma_start3A_243 = arith.constant 1 : i32
      %dma_start3A_244 = arith.constant 0 : i32
      %dma_start3A_245 = arith.constant 0 : i32
      %dma_start3A_246 = tpu.memref_slice %arg8[%dma_start3A_243, %dma_start3A_244, %dma_start3A_245] : memref<2x128x128xf32, #tpu.memory_space<vmem>> -> memref<1x128x128xf32, #tpu.memory_space<vmem>>
      %dma_start3A_247 = tpu.memref_squeeze %dma_start3A_246 : memref<1x128x128xf32, #tpu.memory_space<vmem>> -> memref<128x128xf32, #tpu.memory_space<vmem>>
      %dma_start3A_248 = arith.constant 0 : i32
      %dma_start3A_249 = tpu.memref_slice %arg6[%dma_start3A_242, %dma_start3A_248] : memref<16x128xi32, #tpu.memory_space<vmem>> -> memref<1x128xi32, #tpu.memory_space<vmem>>
      %dma_start3A_250 = tpu.memref_squeeze %dma_start3A_249 : memref<1x128xi32, #tpu.memory_space<vmem>> -> memref<128xi32, #tpu.memory_space<vmem>>
      %dma_start3A_251 = arith.constant 0 : i32
      %dma_start3A_252 = arith.constant 0 : i32
      %dma_start3A_253 = tpu.memref_slice %arg2[%dma_start3A_251, %dma_start3A_252] : memref<10000x128xf32, #tpu.memory_space<hbm>> -> memref<10000x128xf32, #tpu.memory_space<hbm>>
      tpu.enqueue_indirect_dma source(%dma_start3A_253 : memref<10000x128xf32, #tpu.memory_space<hbm>>) target(%dma_start3A_247 : memref<128x128xf32, #tpu.memory_space<vmem>>) offsets(%dma_start3A_250 : memref<128xi32, #tpu.memory_space<vmem>>) semaphore(%arg10 : memref<!tpu.dma_semaphore, #tpu.memory_space<semaphore_mem>>)
      %dma_wait3A_254 = arith.constant 4 : i32
      %dma_wait3A_255 = arith.constant 0 : i32
      %dma_wait3A_256 = arith.constant 0 : i32
      %dma_wait3A_257 = arith.constant 0 : i32
      %dma_wait3A_258 = tpu.memref_slice %arg8[%dma_wait3A_255, %dma_wait3A_256, %dma_wait3A_257] : memref<2x128x128xf32, #tpu.memory_space<vmem>> -> memref<1x128x128xf32, #tpu.memory_space<vmem>>
      %dma_wait3A_259 = tpu.memref_squeeze %dma_wait3A_258 : memref<1x128x128xf32, #tpu.memory_space<vmem>> -> memref<128x128xf32, #tpu.memory_space<vmem>>
      %dma_wait3A_260 = arith.constant 0 : i32
      %dma_wait3A_261 = tpu.memref_slice %arg6[%dma_wait3A_254, %dma_wait3A_260] : memref<16x128xi32, #tpu.memory_space<vmem>> -> memref<1x128xi32, #tpu.memory_space<vmem>>
      %dma_wait3A_262 = tpu.memref_squeeze %dma_wait3A_261 : memref<1x128xi32, #tpu.memory_space<vmem>> -> memref<128xi32, #tpu.memory_space<vmem>>
      %dma_wait3A_263 = arith.constant 0 : i32
      %dma_wait3A_264 = arith.constant 0 : i32
      %dma_wait3A_265 = tpu.memref_slice %arg2[%dma_wait3A_263, %dma_wait3A_264] : memref<10000x128xf32, #tpu.memory_space<hbm>> -> memref<10000x128xf32, #tpu.memory_space<hbm>>
      tpu.wait_indirect_dma semaphore(%arg10 : memref<!tpu.dma_semaphore, #tpu.memory_space<semaphore_mem>>) src(%dma_wait3A_265 : memref<10000x128xf32, #tpu.memory_space<hbm>>) dst(%dma_wait3A_259 : memref<128x128xf32, #tpu.memory_space<vmem>>)
      %dma_start3A_266 = arith.constant 0 : i32
      %dma_start3A_267 = arith.constant 4 : i32
      %dma_start3A_268 = arith.constant 0 : i32
      %dma_start3A_269 = arith.constant 0 : i32
      %dma_start3A_270 = tpu.memref_slice %arg8[%dma_start3A_266, %dma_start3A_268, %dma_start3A_269] : memref<2x128x128xf32, #tpu.memory_space<vmem>> -> memref<1x128x128xf32, #tpu.memory_space<vmem>>
      %dma_start3A_271 = tpu.memref_squeeze %dma_start3A_270 : memref<1x128x128xf32, #tpu.memory_space<vmem>> -> memref<128x128xf32, #tpu.memory_space<vmem>>
      %dma_start3A_272 = arith.constant 0 : i32
      %dma_start3A_273 = tpu.memref_slice %arg7[%dma_start3A_267, %dma_start3A_272] : memref<16x128xi32, #tpu.memory_space<vmem>> -> memref<1x128xi32, #tpu.memory_space<vmem>>
      %dma_start3A_274 = tpu.memref_squeeze %dma_start3A_273 : memref<1x128xi32, #tpu.memory_space<vmem>> -> memref<128xi32, #tpu.memory_space<vmem>>
      %dma_start3A_275 = arith.constant 0 : i32
      %dma_start3A_276 = arith.constant 0 : i32
      %dma_start3A_277 = tpu.memref_slice %arg9[%dma_start3A_275, %dma_start3A_276] : memref<10240x128xf32, #tpu.memory_space<vmem_shared>> -> memref<10240x128xf32, #tpu.memory_space<vmem_shared>>
      tpu.enqueue_indirect_dma source(%dma_start3A_271 : memref<128x128xf32, #tpu.memory_space<vmem>>) target(%dma_start3A_277 : memref<10240x128xf32, #tpu.memory_space<vmem_shared>>) offsets(%dma_start3A_274 : memref<128xi32, #tpu.memory_space<vmem>>) semaphore(%arg11 : memref<!tpu.dma_semaphore, #tpu.memory_space<semaphore_mem>>) {add = true}
      %dma_wait3A_278 = arith.constant 0 : i32
      %dma_wait3A_279 = arith.constant 4 : i32
      %dma_wait3A_280 = arith.constant 0 : i32
      %dma_wait3A_281 = arith.constant 0 : i32
      %dma_wait3A_282 = tpu.memref_slice %arg8[%dma_wait3A_278, %dma_wait3A_280, %dma_wait3A_281] : memref<2x128x128xf32, #tpu.memory_space<vmem>> -> memref<1x128x128xf32, #tpu.memory_space<vmem>>
      %dma_wait3A_283 = tpu.memref_squeeze %dma_wait3A_282 : memref<1x128x128xf32, #tpu.memory_space<vmem>> -> memref<128x128xf32, #tpu.memory_space<vmem>>
      %dma_wait3A_284 = arith.constant 0 : i32
      %dma_wait3A_285 = tpu.memref_slice %arg7[%dma_wait3A_279, %dma_wait3A_284] : memref<16x128xi32, #tpu.memory_space<vmem>> -> memref<1x128xi32, #tpu.memory_space<vmem>>
      %dma_wait3A_286 = tpu.memref_squeeze %dma_wait3A_285 : memref<1x128xi32, #tpu.memory_space<vmem>> -> memref<128xi32, #tpu.memory_space<vmem>>
      %dma_wait3A_287 = arith.constant 0 : i32
      %dma_wait3A_288 = arith.constant 0 : i32
      %dma_wait3A_289 = tpu.memref_slice %arg9[%dma_wait3A_287, %dma_wait3A_288] : memref<10240x128xf32, #tpu.memory_space<vmem_shared>> -> memref<10240x128xf32, #tpu.memory_space<vmem_shared>>
      tpu.wait_indirect_dma semaphore(%arg11 : memref<!tpu.dma_semaphore, #tpu.memory_space<semaphore_mem>>) src(%dma_wait3A_283 : memref<128x128xf32, #tpu.memory_space<vmem>>) dst(%dma_wait3A_289 : memref<10240x128xf32, #tpu.memory_space<vmem_shared>>)
      %dma_start3A_290 = arith.constant 6 : i32
      %dma_start3A_291 = arith.constant 0 : i32
      %dma_start3A_292 = arith.constant 0 : i32
      %dma_start3A_293 = arith.constant 0 : i32
      %dma_start3A_294 = tpu.memref_slice %arg8[%dma_start3A_291, %dma_start3A_292, %dma_start3A_293] : memref<2x128x128xf32, #tpu.memory_space<vmem>> -> memref<1x128x128xf32, #tpu.memory_space<vmem>>
      %dma_start3A_295 = tpu.memref_squeeze %dma_start3A_294 : memref<1x128x128xf32, #tpu.memory_space<vmem>> -> memref<128x128xf32, #tpu.memory_space<vmem>>
      %dma_start3A_296 = arith.constant 0 : i32
      %dma_start3A_297 = tpu.memref_slice %arg6[%dma_start3A_290, %dma_start3A_296] : memref<16x128xi32, #tpu.memory_space<vmem>> -> memref<1x128xi32, #tpu.memory_space<vmem>>
      %dma_start3A_298 = tpu.memref_squeeze %dma_start3A_297 : memref<1x128xi32, #tpu.memory_space<vmem>> -> memref<128xi32, #tpu.memory_space<vmem>>
      %dma_start3A_299 = arith.constant 0 : i32
      %dma_start3A_300 = arith.constant 0 : i32
      %dma_start3A_301 = tpu.memref_slice %arg2[%dma_start3A_299, %dma_start3A_300] : memref<10000x128xf32, #tpu.memory_space<hbm>> -> memref<10000x128xf32, #tpu.memory_space<hbm>>
      tpu.enqueue_indirect_dma source(%dma_start3A_301 : memref<10000x128xf32, #tpu.memory_space<hbm>>) target(%dma_start3A_295 : memref<128x128xf32, #tpu.memory_space<vmem>>) offsets(%dma_start3A_298 : memref<128xi32, #tpu.memory_space<vmem>>) semaphore(%arg10 : memref<!tpu.dma_semaphore, #tpu.memory_space<semaphore_mem>>)
      %dma_wait3A_302 = arith.constant 5 : i32
      %dma_wait3A_303 = arith.constant 1 : i32
      %dma_wait3A_304 = arith.constant 0 : i32
      %dma_wait3A_305 = arith.constant 0 : i32
      %dma_wait3A_306 = tpu.memref_slice %arg8[%dma_wait3A_303, %dma_wait3A_304, %dma_wait3A_305] : memref<2x128x128xf32, #tpu.memory_space<vmem>> -> memref<1x128x128xf32, #tpu.memory_space<vmem>>
      %dma_wait3A_307 = tpu.memref_squeeze %dma_wait3A_306 : memref<1x128x128xf32, #tpu.memory_space<vmem>> -> memref<128x128xf32, #tpu.memory_space<vmem>>
      %dma_wait3A_308 = arith.constant 0 : i32
      %dma_wait3A_309 = tpu.memref_slice %arg6[%dma_wait3A_302, %dma_wait3A_308] : memref<16x128xi32, #tpu.memory_space<vmem>> -> memref<1x128xi32, #tpu.memory_space<vmem>>
      %dma_wait3A_310 = tpu.memref_squeeze %dma_wait3A_309 : memref<1x128xi32, #tpu.memory_space<vmem>> -> memref<128xi32, #tpu.memory_space<vmem>>
      %dma_wait3A_311 = arith.constant 0 : i32
      %dma_wait3A_312 = arith.constant 0 : i32
      %dma_wait3A_313 = tpu.memref_slice %arg2[%dma_wait3A_311, %dma_wait3A_312] : memref<10000x128xf32, #tpu.memory_space<hbm>> -> memref<10000x128xf32, #tpu.memory_space<hbm>>
      tpu.wait_indirect_dma semaphore(%arg10 : memref<!tpu.dma_semaphore, #tpu.memory_space<semaphore_mem>>) src(%dma_wait3A_313 : memref<10000x128xf32, #tpu.memory_space<hbm>>) dst(%dma_wait3A_307 : memref<128x128xf32, #tpu.memory_space<vmem>>)
      %dma_start3A_314 = arith.constant 1 : i32
      %dma_start3A_315 = arith.constant 5 : i32
      %dma_start3A_316 = arith.constant 0 : i32
      %dma_start3A_317 = arith.constant 0 : i32
      %dma_start3A_318 = tpu.memref_slice %arg8[%dma_start3A_314, %dma_start3A_316, %dma_start3A_317] : memref<2x128x128xf32, #tpu.memory_space<vmem>> -> memref<1x128x128xf32, #tpu.memory_space<vmem>>
      %dma_start3A_319 = tpu.memref_squeeze %dma_start3A_318 : memref<1x128x128xf32, #tpu.memory_space<vmem>> -> memref<128x128xf32, #tpu.memory_space<vmem>>
      %dma_start3A_320 = arith.constant 0 : i32
      %dma_start3A_321 = tpu.memref_slice %arg7[%dma_start3A_315, %dma_start3A_320] : memref<16x128xi32, #tpu.memory_space<vmem>> -> memref<1x128xi32, #tpu.memory_space<vmem>>
      %dma_start3A_322 = tpu.memref_squeeze %dma_start3A_321 : memref<1x128xi32, #tpu.memory_space<vmem>> -> memref<128xi32, #tpu.memory_space<vmem>>
      %dma_start3A_323 = arith.constant 0 : i32
      %dma_start3A_324 = arith.constant 0 : i32
      %dma_start3A_325 = tpu.memref_slice %arg9[%dma_start3A_323, %dma_start3A_324] : memref<10240x128xf32, #tpu.memory_space<vmem_shared>> -> memref<10240x128xf32, #tpu.memory_space<vmem_shared>>
      tpu.enqueue_indirect_dma source(%dma_start3A_319 : memref<128x128xf32, #tpu.memory_space<vmem>>) target(%dma_start3A_325 : memref<10240x128xf32, #tpu.memory_space<vmem_shared>>) offsets(%dma_start3A_322 : memref<128xi32, #tpu.memory_space<vmem>>) semaphore(%arg11 : memref<!tpu.dma_semaphore, #tpu.memory_space<semaphore_mem>>) {add = true}
      %dma_wait3A_326 = arith.constant 1 : i32
      %dma_wait3A_327 = arith.constant 5 : i32
      %dma_wait3A_328 = arith.constant 0 : i32
      %dma_wait3A_329 = arith.constant 0 : i32
      %dma_wait3A_330 = tpu.memref_slice %arg8[%dma_wait3A_326, %dma_wait3A_328, %dma_wait3A_329] : memref<2x128x128xf32, #tpu.memory_space<vmem>> -> memref<1x128x128xf32, #tpu.memory_space<vmem>>
      %dma_wait3A_331 = tpu.memref_squeeze %dma_wait3A_330 : memref<1x128x128xf32, #tpu.memory_space<vmem>> -> memref<128x128xf32, #tpu.memory_space<vmem>>
      %dma_wait3A_332 = arith.constant 0 : i32
      %dma_wait3A_333 = tpu.memref_slice %arg7[%dma_wait3A_327, %dma_wait3A_332] : memref<16x128xi32, #tpu.memory_space<vmem>> -> memref<1x128xi32, #tpu.memory_space<vmem>>
      %dma_wait3A_334 = tpu.memref_squeeze %dma_wait3A_333 : memref<1x128xi32, #tpu.memory_space<vmem>> -> memref<128xi32, #tpu.memory_space<vmem>>
      %dma_wait3A_335 = arith.constant 0 : i32
      %dma_wait3A_336 = arith.constant 0 : i32
      %dma_wait3A_337 = tpu.memref_slice %arg9[%dma_wait3A_335, %dma_wait3A_336] : memref<10240x128xf32, #tpu.memory_space<vmem_shared>> -> memref<10240x128xf32, #tpu.memory_space<vmem_shared>>
      tpu.wait_indirect_dma semaphore(%arg11 : memref<!tpu.dma_semaphore, #tpu.memory_space<semaphore_mem>>) src(%dma_wait3A_331 : memref<128x128xf32, #tpu.memory_space<vmem>>) dst(%dma_wait3A_337 : memref<10240x128xf32, #tpu.memory_space<vmem_shared>>)
      %dma_start3A_338 = arith.constant 7 : i32
      %dma_start3A_339 = arith.constant 1 : i32
      %dma_start3A_340 = arith.constant 0 : i32
      %dma_start3A_341 = arith.constant 0 : i32
      %dma_start3A_342 = tpu.memref_slice %arg8[%dma_start3A_339, %dma_start3A_340, %dma_start3A_341] : memref<2x128x128xf32, #tpu.memory_space<vmem>> -> memref<1x128x128xf32, #tpu.memory_space<vmem>>
      %dma_start3A_343 = tpu.memref_squeeze %dma_start3A_342 : memref<1x128x128xf32, #tpu.memory_space<vmem>> -> memref<128x128xf32, #tpu.memory_space<vmem>>
      %dma_start3A_344 = arith.constant 0 : i32
      %dma_start3A_345 = tpu.memref_slice %arg6[%dma_start3A_338, %dma_start3A_344] : memref<16x128xi32, #tpu.memory_space<vmem>> -> memref<1x128xi32, #tpu.memory_space<vmem>>
      %dma_start3A_346 = tpu.memref_squeeze %dma_start3A_345 : memref<1x128xi32, #tpu.memory_space<vmem>> -> memref<128xi32, #tpu.memory_space<vmem>>
      %dma_start3A_347 = arith.constant 0 : i32
      %dma_start3A_348 = arith.constant 0 : i32
      %dma_start3A_349 = tpu.memref_slice %arg2[%dma_start3A_347, %dma_start3A_348] : memref<10000x128xf32, #tpu.memory_space<hbm>> -> memref<10000x128xf32, #tpu.memory_space<hbm>>
      tpu.enqueue_indirect_dma source(%dma_start3A_349 : memref<10000x128xf32, #tpu.memory_space<hbm>>) target(%dma_start3A_343 : memref<128x128xf32, #tpu.memory_space<vmem>>) offsets(%dma_start3A_346 : memref<128xi32, #tpu.memory_space<vmem>>) semaphore(%arg10 : memref<!tpu.dma_semaphore, #tpu.memory_space<semaphore_mem>>)
      %dma_wait3A_350 = arith.constant 6 : i32
      %dma_wait3A_351 = arith.constant 0 : i32
      %dma_wait3A_352 = arith.constant 0 : i32
      %dma_wait3A_353 = arith.constant 0 : i32
      %dma_wait3A_354 = tpu.memref_slice %arg8[%dma_wait3A_351, %dma_wait3A_352, %dma_wait3A_353] : memref<2x128x128xf32, #tpu.memory_space<vmem>> -> memref<1x128x128xf32, #tpu.memory_space<vmem>>
      %dma_wait3A_355 = tpu.memref_squeeze %dma_wait3A_354 : memref<1x128x128xf32, #tpu.memory_space<vmem>> -> memref<128x128xf32, #tpu.memory_space<vmem>>
      %dma_wait3A_356 = arith.constant 0 : i32
      %dma_wait3A_357 = tpu.memref_slice %arg6[%dma_wait3A_350, %dma_wait3A_356] : memref<16x128xi32, #tpu.memory_space<vmem>> -> memref<1x128xi32, #tpu.memory_space<vmem>>
      %dma_wait3A_358 = tpu.memref_squeeze %dma_wait3A_357 : memref<1x128xi32, #tpu.memory_space<vmem>> -> memref<128xi32, #tpu.memory_space<vmem>>
      %dma_wait3A_359 = arith.constant 0 : i32
      %dma_wait3A_360 = arith.constant 0 : i32
      %dma_wait3A_361 = tpu.memref_slice %arg2[%dma_wait3A_359, %dma_wait3A_360] : memref<10000x128xf32, #tpu.memory_space<hbm>> -> memref<10000x128xf32, #tpu.memory_space<hbm>>
      tpu.wait_indirect_dma semaphore(%arg10 : memref<!tpu.dma_semaphore, #tpu.memory_space<semaphore_mem>>) src(%dma_wait3A_361 : memref<10000x128xf32, #tpu.memory_space<hbm>>) dst(%dma_wait3A_355 : memref<128x128xf32, #tpu.memory_space<vmem>>)
      %dma_start3A_362 = arith.constant 0 : i32
      %dma_start3A_363 = arith.constant 6 : i32
      %dma_start3A_364 = arith.constant 0 : i32
      %dma_start3A_365 = arith.constant 0 : i32
      %dma_start3A_366 = tpu.memref_slice %arg8[%dma_start3A_362, %dma_start3A_364, %dma_start3A_365] : memref<2x128x128xf32, #tpu.memory_space<vmem>> -> memref<1x128x128xf32, #tpu.memory_space<vmem>>
      %dma_start3A_367 = tpu.memref_squeeze %dma_start3A_366 : memref<1x128x128xf32, #tpu.memory_space<vmem>> -> memref<128x128xf32, #tpu.memory_space<vmem>>
      %dma_start3A_368 = arith.constant 0 : i32
      %dma_start3A_369 = tpu.memref_slice %arg7[%dma_start3A_363, %dma_start3A_368] : memref<16x128xi32, #tpu.memory_space<vmem>> -> memref<1x128xi32, #tpu.memory_space<vmem>>
      %dma_start3A_370 = tpu.memref_squeeze %dma_start3A_369 : memref<1x128xi32, #tpu.memory_space<vmem>> -> memref<128xi32, #tpu.memory_space<vmem>>
      %dma_start3A_371 = arith.constant 0 : i32
      %dma_start3A_372 = arith.constant 0 : i32
      %dma_start3A_373 = tpu.memref_slice %arg9[%dma_start3A_371, %dma_start3A_372] : memref<10240x128xf32, #tpu.memory_space<vmem_shared>> -> memref<10240x128xf32, #tpu.memory_space<vmem_shared>>
      tpu.enqueue_indirect_dma source(%dma_start3A_367 : memref<128x128xf32, #tpu.memory_space<vmem>>) target(%dma_start3A_373 : memref<10240x128xf32, #tpu.memory_space<vmem_shared>>) offsets(%dma_start3A_370 : memref<128xi32, #tpu.memory_space<vmem>>) semaphore(%arg11 : memref<!tpu.dma_semaphore, #tpu.memory_space<semaphore_mem>>) {add = true}
      %dma_wait3A_374 = arith.constant 0 : i32
      %dma_wait3A_375 = arith.constant 6 : i32
      %dma_wait3A_376 = arith.constant 0 : i32
      %dma_wait3A_377 = arith.constant 0 : i32
      %dma_wait3A_378 = tpu.memref_slice %arg8[%dma_wait3A_374, %dma_wait3A_376, %dma_wait3A_377] : memref<2x128x128xf32, #tpu.memory_space<vmem>> -> memref<1x128x128xf32, #tpu.memory_space<vmem>>
      %dma_wait3A_379 = tpu.memref_squeeze %dma_wait3A_378 : memref<1x128x128xf32, #tpu.memory_space<vmem>> -> memref<128x128xf32, #tpu.memory_space<vmem>>
      %dma_wait3A_380 = arith.constant 0 : i32
      %dma_wait3A_381 = tpu.memref_slice %arg7[%dma_wait3A_375, %dma_wait3A_380] : memref<16x128xi32, #tpu.memory_space<vmem>> -> memref<1x128xi32, #tpu.memory_space<vmem>>
      %dma_wait3A_382 = tpu.memref_squeeze %dma_wait3A_381 : memref<1x128xi32, #tpu.memory_space<vmem>> -> memref<128xi32, #tpu.memory_space<vmem>>
      %dma_wait3A_383 = arith.constant 0 : i32
      %dma_wait3A_384 = arith.constant 0 : i32
      %dma_wait3A_385 = tpu.memref_slice %arg9[%dma_wait3A_383, %dma_wait3A_384] : memref<10240x128xf32, #tpu.memory_space<vmem_shared>> -> memref<10240x128xf32, #tpu.memory_space<vmem_shared>>
      tpu.wait_indirect_dma semaphore(%arg11 : memref<!tpu.dma_semaphore, #tpu.memory_space<semaphore_mem>>) src(%dma_wait3A_379 : memref<128x128xf32, #tpu.memory_space<vmem>>) dst(%dma_wait3A_385 : memref<10240x128xf32, #tpu.memory_space<vmem_shared>>)
      %dma_start3A_386 = arith.constant 8 : i32
      %dma_start3A_387 = arith.constant 0 : i32
      %dma_start3A_388 = arith.constant 0 : i32
      %dma_start3A_389 = arith.constant 0 : i32
      %dma_start3A_390 = tpu.memref_slice %arg8[%dma_start3A_387, %dma_start3A_388, %dma_start3A_389] : memref<2x128x128xf32, #tpu.memory_space<vmem>> -> memref<1x128x128xf32, #tpu.memory_space<vmem>>
      %dma_start3A_391 = tpu.memref_squeeze %dma_start3A_390 : memref<1x128x128xf32, #tpu.memory_space<vmem>> -> memref<128x128xf32, #tpu.memory_space<vmem>>
      %dma_start3A_392 = arith.constant 0 : i32
      %dma_start3A_393 = tpu.memref_slice %arg6[%dma_start3A_386, %dma_start3A_392] : memref<16x128xi32, #tpu.memory_space<vmem>> -> memref<1x128xi32, #tpu.memory_space<vmem>>
      %dma_start3A_394 = tpu.memref_squeeze %dma_start3A_393 : memref<1x128xi32, #tpu.memory_space<vmem>> -> memref<128xi32, #tpu.memory_space<vmem>>
      %dma_start3A_395 = arith.constant 0 : i32
      %dma_start3A_396 = arith.constant 0 : i32
      %dma_start3A_397 = tpu.memref_slice %arg2[%dma_start3A_395, %dma_start3A_396] : memref<10000x128xf32, #tpu.memory_space<hbm>> -> memref<10000x128xf32, #tpu.memory_space<hbm>>
      tpu.enqueue_indirect_dma source(%dma_start3A_397 : memref<10000x128xf32, #tpu.memory_space<hbm>>) target(%dma_start3A_391 : memref<128x128xf32, #tpu.memory_space<vmem>>) offsets(%dma_start3A_394 : memref<128xi32, #tpu.memory_space<vmem>>) semaphore(%arg10 : memref<!tpu.dma_semaphore, #tpu.memory_space<semaphore_mem>>)
      %dma_wait3A_398 = arith.constant 7 : i32
      %dma_wait3A_399 = arith.constant 1 : i32
      %dma_wait3A_400 = arith.constant 0 : i32
      %dma_wait3A_401 = arith.constant 0 : i32
      %dma_wait3A_402 = tpu.memref_slice %arg8[%dma_wait3A_399, %dma_wait3A_400, %dma_wait3A_401] : memref<2x128x128xf32, #tpu.memory_space<vmem>> -> memref<1x128x128xf32, #tpu.memory_space<vmem>>
      %dma_wait3A_403 = tpu.memref_squeeze %dma_wait3A_402 : memref<1x128x128xf32, #tpu.memory_space<vmem>> -> memref<128x128xf32, #tpu.memory_space<vmem>>
      %dma_wait3A_404 = arith.constant 0 : i32
      %dma_wait3A_405 = tpu.memref_slice %arg6[%dma_wait3A_398, %dma_wait3A_404] : memref<16x128xi32, #tpu.memory_space<vmem>> -> memref<1x128xi32, #tpu.memory_space<vmem>>
      %dma_wait3A_406 = tpu.memref_squeeze %dma_wait3A_405 : memref<1x128xi32, #tpu.memory_space<vmem>> -> memref<128xi32, #tpu.memory_space<vmem>>
      %dma_wait3A_407 = arith.constant 0 : i32
      %dma_wait3A_408 = arith.constant 0 : i32
      %dma_wait3A_409 = tpu.memref_slice %arg2[%dma_wait3A_407, %dma_wait3A_408] : memref<10000x128xf32, #tpu.memory_space<hbm>> -> memref<10000x128xf32, #tpu.memory_space<hbm>>
      tpu.wait_indirect_dma semaphore(%arg10 : memref<!tpu.dma_semaphore, #tpu.memory_space<semaphore_mem>>) src(%dma_wait3A_409 : memref<10000x128xf32, #tpu.memory_space<hbm>>) dst(%dma_wait3A_403 : memref<128x128xf32, #tpu.memory_space<vmem>>)
      %dma_start3A_410 = arith.constant 1 : i32
      %dma_start3A_411 = arith.constant 7 : i32
      %dma_start3A_412 = arith.constant 0 : i32
      %dma_start3A_413 = arith.constant 0 : i32
      %dma_start3A_414 = tpu.memref_slice %arg8[%dma_start3A_410, %dma_start3A_412, %dma_start3A_413] : memref<2x128x128xf32, #tpu.memory_space<vmem>> -> memref<1x128x128xf32, #tpu.memory_space<vmem>>
      %dma_start3A_415 = tpu.memref_squeeze %dma_start3A_414 : memref<1x128x128xf32, #tpu.memory_space<vmem>> -> memref<128x128xf32, #tpu.memory_space<vmem>>
      %dma_start3A_416 = arith.constant 0 : i32
      %dma_start3A_417 = tpu.memref_slice %arg7[%dma_start3A_411, %dma_start3A_416] : memref<16x128xi32, #tpu.memory_space<vmem>> -> memref<1x128xi32, #tpu.memory_space<vmem>>
      %dma_start3A_418 = tpu.memref_squeeze %dma_start3A_417 : memref<1x128xi32, #tpu.memory_space<vmem>> -> memref<128xi32, #tpu.memory_space<vmem>>
      %dma_start3A_419 = arith.constant 0 : i32
      %dma_start3A_420 = arith.constant 0 : i32
      %dma_start3A_421 = tpu.memref_slice %arg9[%dma_start3A_419, %dma_start3A_420] : memref<10240x128xf32, #tpu.memory_space<vmem_shared>> -> memref<10240x128xf32, #tpu.memory_space<vmem_shared>>
      tpu.enqueue_indirect_dma source(%dma_start3A_415 : memref<128x128xf32, #tpu.memory_space<vmem>>) target(%dma_start3A_421 : memref<10240x128xf32, #tpu.memory_space<vmem_shared>>) offsets(%dma_start3A_418 : memref<128xi32, #tpu.memory_space<vmem>>) semaphore(%arg11 : memref<!tpu.dma_semaphore, #tpu.memory_space<semaphore_mem>>) {add = true}
      %dma_wait3A_422 = arith.constant 1 : i32
      %dma_wait3A_423 = arith.constant 7 : i32
      %dma_wait3A_424 = arith.constant 0 : i32
      %dma_wait3A_425 = arith.constant 0 : i32
      %dma_wait3A_426 = tpu.memref_slice %arg8[%dma_wait3A_422, %dma_wait3A_424, %dma_wait3A_425] : memref<2x128x128xf32, #tpu.memory_space<vmem>> -> memref<1x128x128xf32, #tpu.memory_space<vmem>>
      %dma_wait3A_427 = tpu.memref_squeeze %dma_wait3A_426 : memref<1x128x128xf32, #tpu.memory_space<vmem>> -> memref<128x128xf32, #tpu.memory_space<vmem>>
      %dma_wait3A_428 = arith.constant 0 : i32
      %dma_wait3A_429 = tpu.memref_slice %arg7[%dma_wait3A_423, %dma_wait3A_428] : memref<16x128xi32, #tpu.memory_space<vmem>> -> memref<1x128xi32, #tpu.memory_space<vmem>>
      %dma_wait3A_430 = tpu.memref_squeeze %dma_wait3A_429 : memref<1x128xi32, #tpu.memory_space<vmem>> -> memref<128xi32, #tpu.memory_space<vmem>>
      %dma_wait3A_431 = arith.constant 0 : i32
      %dma_wait3A_432 = arith.constant 0 : i32
      %dma_wait3A_433 = tpu.memref_slice %arg9[%dma_wait3A_431, %dma_wait3A_432] : memref<10240x128xf32, #tpu.memory_space<vmem_shared>> -> memref<10240x128xf32, #tpu.memory_space<vmem_shared>>
      tpu.wait_indirect_dma semaphore(%arg11 : memref<!tpu.dma_semaphore, #tpu.memory_space<semaphore_mem>>) src(%dma_wait3A_427 : memref<128x128xf32, #tpu.memory_space<vmem>>) dst(%dma_wait3A_433 : memref<10240x128xf32, #tpu.memory_space<vmem_shared>>)
      %dma_start3A_434 = arith.constant 9 : i32
      %dma_start3A_435 = arith.constant 1 : i32
      %dma_start3A_436 = arith.constant 0 : i32
      %dma_start3A_437 = arith.constant 0 : i32
      %dma_start3A_438 = tpu.memref_slice %arg8[%dma_start3A_435, %dma_start3A_436, %dma_start3A_437] : memref<2x128x128xf32, #tpu.memory_space<vmem>> -> memref<1x128x128xf32, #tpu.memory_space<vmem>>
      %dma_start3A_439 = tpu.memref_squeeze %dma_start3A_438 : memref<1x128x128xf32, #tpu.memory_space<vmem>> -> memref<128x128xf32, #tpu.memory_space<vmem>>
      %dma_start3A_440 = arith.constant 0 : i32
      %dma_start3A_441 = tpu.memref_slice %arg6[%dma_start3A_434, %dma_start3A_440] : memref<16x128xi32, #tpu.memory_space<vmem>> -> memref<1x128xi32, #tpu.memory_space<vmem>>
      %dma_start3A_442 = tpu.memref_squeeze %dma_start3A_441 : memref<1x128xi32, #tpu.memory_space<vmem>> -> memref<128xi32, #tpu.memory_space<vmem>>
      %dma_start3A_443 = arith.constant 0 : i32
      %dma_start3A_444 = arith.constant 0 : i32
      %dma_start3A_445 = tpu.memref_slice %arg2[%dma_start3A_443, %dma_start3A_444] : memref<10000x128xf32, #tpu.memory_space<hbm>> -> memref<10000x128xf32, #tpu.memory_space<hbm>>
      tpu.enqueue_indirect_dma source(%dma_start3A_445 : memref<10000x128xf32, #tpu.memory_space<hbm>>) target(%dma_start3A_439 : memref<128x128xf32, #tpu.memory_space<vmem>>) offsets(%dma_start3A_442 : memref<128xi32, #tpu.memory_space<vmem>>) semaphore(%arg10 : memref<!tpu.dma_semaphore, #tpu.memory_space<semaphore_mem>>)
      %dma_wait3A_446 = arith.constant 8 : i32
      %dma_wait3A_447 = arith.constant 0 : i32
      %dma_wait3A_448 = arith.constant 0 : i32
      %dma_wait3A_449 = arith.constant 0 : i32
      %dma_wait3A_450 = tpu.memref_slice %arg8[%dma_wait3A_447, %dma_wait3A_448, %dma_wait3A_449] : memref<2x128x128xf32, #tpu.memory_space<vmem>> -> memref<1x128x128xf32, #tpu.memory_space<vmem>>
      %dma_wait3A_451 = tpu.memref_squeeze %dma_wait3A_450 : memref<1x128x128xf32, #tpu.memory_space<vmem>> -> memref<128x128xf32, #tpu.memory_space<vmem>>
      %dma_wait3A_452 = arith.constant 0 : i32
      %dma_wait3A_453 = tpu.memref_slice %arg6[%dma_wait3A_446, %dma_wait3A_452] : memref<16x128xi32, #tpu.memory_space<vmem>> -> memref<1x128xi32, #tpu.memory_space<vmem>>
      %dma_wait3A_454 = tpu.memref_squeeze %dma_wait3A_453 : memref<1x128xi32, #tpu.memory_space<vmem>> -> memref<128xi32, #tpu.memory_space<vmem>>
      %dma_wait3A_455 = arith.constant 0 : i32
      %dma_wait3A_456 = arith.constant 0 : i32
      %dma_wait3A_457 = tpu.memref_slice %arg2[%dma_wait3A_455, %dma_wait3A_456] : memref<10000x128xf32, #tpu.memory_space<hbm>> -> memref<10000x128xf32, #tpu.memory_space<hbm>>
      tpu.wait_indirect_dma semaphore(%arg10 : memref<!tpu.dma_semaphore, #tpu.memory_space<semaphore_mem>>) src(%dma_wait3A_457 : memref<10000x128xf32, #tpu.memory_space<hbm>>) dst(%dma_wait3A_451 : memref<128x128xf32, #tpu.memory_space<vmem>>)
      %dma_start3A_458 = arith.constant 0 : i32
      %dma_start3A_459 = arith.constant 8 : i32
      %dma_start3A_460 = arith.constant 0 : i32
      %dma_start3A_461 = arith.constant 0 : i32
      %dma_start3A_462 = tpu.memref_slice %arg8[%dma_start3A_458, %dma_start3A_460, %dma_start3A_461] : memref<2x128x128xf32, #tpu.memory_space<vmem>> -> memref<1x128x128xf32, #tpu.memory_space<vmem>>
      %dma_start3A_463 = tpu.memref_squeeze %dma_start3A_462 : memref<1x128x128xf32, #tpu.memory_space<vmem>> -> memref<128x128xf32, #tpu.memory_space<vmem>>
      %dma_start3A_464 = arith.constant 0 : i32
      %dma_start3A_465 = tpu.memref_slice %arg7[%dma_start3A_459, %dma_start3A_464] : memref<16x128xi32, #tpu.memory_space<vmem>> -> memref<1x128xi32, #tpu.memory_space<vmem>>
      %dma_start3A_466 = tpu.memref_squeeze %dma_start3A_465 : memref<1x128xi32, #tpu.memory_space<vmem>> -> memref<128xi32, #tpu.memory_space<vmem>>
      %dma_start3A_467 = arith.constant 0 : i32
      %dma_start3A_468 = arith.constant 0 : i32
      %dma_start3A_469 = tpu.memref_slice %arg9[%dma_start3A_467, %dma_start3A_468] : memref<10240x128xf32, #tpu.memory_space<vmem_shared>> -> memref<10240x128xf32, #tpu.memory_space<vmem_shared>>
      tpu.enqueue_indirect_dma source(%dma_start3A_463 : memref<128x128xf32, #tpu.memory_space<vmem>>) target(%dma_start3A_469 : memref<10240x128xf32, #tpu.memory_space<vmem_shared>>) offsets(%dma_start3A_466 : memref<128xi32, #tpu.memory_space<vmem>>) semaphore(%arg11 : memref<!tpu.dma_semaphore, #tpu.memory_space<semaphore_mem>>) {add = true}
      %dma_wait3A_470 = arith.constant 0 : i32
      %dma_wait3A_471 = arith.constant 8 : i32
      %dma_wait3A_472 = arith.constant 0 : i32
      %dma_wait3A_473 = arith.constant 0 : i32
      %dma_wait3A_474 = tpu.memref_slice %arg8[%dma_wait3A_470, %dma_wait3A_472, %dma_wait3A_473] : memref<2x128x128xf32, #tpu.memory_space<vmem>> -> memref<1x128x128xf32, #tpu.memory_space<vmem>>
      %dma_wait3A_475 = tpu.memref_squeeze %dma_wait3A_474 : memref<1x128x128xf32, #tpu.memory_space<vmem>> -> memref<128x128xf32, #tpu.memory_space<vmem>>
      %dma_wait3A_476 = arith.constant 0 : i32
      %dma_wait3A_477 = tpu.memref_slice %arg7[%dma_wait3A_471, %dma_wait3A_476] : memref<16x128xi32, #tpu.memory_space<vmem>> -> memref<1x128xi32, #tpu.memory_space<vmem>>
      %dma_wait3A_478 = tpu.memref_squeeze %dma_wait3A_477 : memref<1x128xi32, #tpu.memory_space<vmem>> -> memref<128xi32, #tpu.memory_space<vmem>>
      %dma_wait3A_479 = arith.constant 0 : i32
      %dma_wait3A_480 = arith.constant 0 : i32
      %dma_wait3A_481 = tpu.memref_slice %arg9[%dma_wait3A_479, %dma_wait3A_480] : memref<10240x128xf32, #tpu.memory_space<vmem_shared>> -> memref<10240x128xf32, #tpu.memory_space<vmem_shared>>
      tpu.wait_indirect_dma semaphore(%arg11 : memref<!tpu.dma_semaphore, #tpu.memory_space<semaphore_mem>>) src(%dma_wait3A_475 : memref<128x128xf32, #tpu.memory_space<vmem>>) dst(%dma_wait3A_481 : memref<10240x128xf32, #tpu.memory_space<vmem_shared>>)
      %dma_start3A_482 = arith.constant 10 : i32
      %dma_start3A_483 = arith.constant 0 : i32
      %dma_start3A_484 = arith.constant 0 : i32
      %dma_start3A_485 = arith.constant 0 : i32
      %dma_start3A_486 = tpu.memref_slice %arg8[%dma_start3A_483, %dma_start3A_484, %dma_start3A_485] : memref<2x128x128xf32, #tpu.memory_space<vmem>> -> memref<1x128x128xf32, #tpu.memory_space<vmem>>
      %dma_start3A_487 = tpu.memref_squeeze %dma_start3A_486 : memref<1x128x128xf32, #tpu.memory_space<vmem>> -> memref<128x128xf32, #tpu.memory_space<vmem>>
      %dma_start3A_488 = arith.constant 0 : i32
      %dma_start3A_489 = tpu.memref_slice %arg6[%dma_start3A_482, %dma_start3A_488] : memref<16x128xi32, #tpu.memory_space<vmem>> -> memref<1x128xi32, #tpu.memory_space<vmem>>
      %dma_start3A_490 = tpu.memref_squeeze %dma_start3A_489 : memref<1x128xi32, #tpu.memory_space<vmem>> -> memref<128xi32, #tpu.memory_space<vmem>>
      %dma_start3A_491 = arith.constant 0 : i32
      %dma_start3A_492 = arith.constant 0 : i32
      %dma_start3A_493 = tpu.memref_slice %arg2[%dma_start3A_491, %dma_start3A_492] : memref<10000x128xf32, #tpu.memory_space<hbm>> -> memref<10000x128xf32, #tpu.memory_space<hbm>>
      tpu.enqueue_indirect_dma source(%dma_start3A_493 : memref<10000x128xf32, #tpu.memory_space<hbm>>) target(%dma_start3A_487 : memref<128x128xf32, #tpu.memory_space<vmem>>) offsets(%dma_start3A_490 : memref<128xi32, #tpu.memory_space<vmem>>) semaphore(%arg10 : memref<!tpu.dma_semaphore, #tpu.memory_space<semaphore_mem>>)
      %dma_wait3A_494 = arith.constant 9 : i32
      %dma_wait3A_495 = arith.constant 1 : i32
      %dma_wait3A_496 = arith.constant 0 : i32
      %dma_wait3A_497 = arith.constant 0 : i32
      %dma_wait3A_498 = tpu.memref_slice %arg8[%dma_wait3A_495, %dma_wait3A_496, %dma_wait3A_497] : memref<2x128x128xf32, #tpu.memory_space<vmem>> -> memref<1x128x128xf32, #tpu.memory_space<vmem>>
      %dma_wait3A_499 = tpu.memref_squeeze %dma_wait3A_498 : memref<1x128x128xf32, #tpu.memory_space<vmem>> -> memref<128x128xf32, #tpu.memory_space<vmem>>
      %dma_wait3A_500 = arith.constant 0 : i32
      %dma_wait3A_501 = tpu.memref_slice %arg6[%dma_wait3A_494, %dma_wait3A_500] : memref<16x128xi32, #tpu.memory_space<vmem>> -> memref<1x128xi32, #tpu.memory_space<vmem>>
      %dma_wait3A_502 = tpu.memref_squeeze %dma_wait3A_501 : memref<1x128xi32, #tpu.memory_space<vmem>> -> memref<128xi32, #tpu.memory_space<vmem>>
      %dma_wait3A_503 = arith.constant 0 : i32
      %dma_wait3A_504 = arith.constant 0 : i32
      %dma_wait3A_505 = tpu.memref_slice %arg2[%dma_wait3A_503, %dma_wait3A_504] : memref<10000x128xf32, #tpu.memory_space<hbm>> -> memref<10000x128xf32, #tpu.memory_space<hbm>>
      tpu.wait_indirect_dma semaphore(%arg10 : memref<!tpu.dma_semaphore, #tpu.memory_space<semaphore_mem>>) src(%dma_wait3A_505 : memref<10000x128xf32, #tpu.memory_space<hbm>>) dst(%dma_wait3A_499 : memref<128x128xf32, #tpu.memory_space<vmem>>)
      %dma_start3A_506 = arith.constant 1 : i32
      %dma_start3A_507 = arith.constant 9 : i32
      %dma_start3A_508 = arith.constant 0 : i32
      %dma_start3A_509 = arith.constant 0 : i32
      %dma_start3A_510 = tpu.memref_slice %arg8[%dma_start3A_506, %dma_start3A_508, %dma_start3A_509] : memref<2x128x128xf32, #tpu.memory_space<vmem>> -> memref<1x128x128xf32, #tpu.memory_space<vmem>>
      %dma_start3A_511 = tpu.memref_squeeze %dma_start3A_510 : memref<1x128x128xf32, #tpu.memory_space<vmem>> -> memref<128x128xf32, #tpu.memory_space<vmem>>
      %dma_start3A_512 = arith.constant 0 : i32
      %dma_start3A_513 = tpu.memref_slice %arg7[%dma_start3A_507, %dma_start3A_512] : memref<16x128xi32, #tpu.memory_space<vmem>> -> memref<1x128xi32, #tpu.memory_space<vmem>>
      %dma_start3A_514 = tpu.memref_squeeze %dma_start3A_513 : memref<1x128xi32, #tpu.memory_space<vmem>> -> memref<128xi32, #tpu.memory_space<vmem>>
      %dma_start3A_515 = arith.constant 0 : i32
      %dma_start3A_516 = arith.constant 0 : i32
      %dma_start3A_517 = tpu.memref_slice %arg9[%dma_start3A_515, %dma_start3A_516] : memref<10240x128xf32, #tpu.memory_space<vmem_shared>> -> memref<10240x128xf32, #tpu.memory_space<vmem_shared>>
      tpu.enqueue_indirect_dma source(%dma_start3A_511 : memref<128x128xf32, #tpu.memory_space<vmem>>) target(%dma_start3A_517 : memref<10240x128xf32, #tpu.memory_space<vmem_shared>>) offsets(%dma_start3A_514 : memref<128xi32, #tpu.memory_space<vmem>>) semaphore(%arg11 : memref<!tpu.dma_semaphore, #tpu.memory_space<semaphore_mem>>) {add = true}
      %dma_wait3A_518 = arith.constant 1 : i32
      %dma_wait3A_519 = arith.constant 9 : i32
      %dma_wait3A_520 = arith.constant 0 : i32
      %dma_wait3A_521 = arith.constant 0 : i32
      %dma_wait3A_522 = tpu.memref_slice %arg8[%dma_wait3A_518, %dma_wait3A_520, %dma_wait3A_521] : memref<2x128x128xf32, #tpu.memory_space<vmem>> -> memref<1x128x128xf32, #tpu.memory_space<vmem>>
      %dma_wait3A_523 = tpu.memref_squeeze %dma_wait3A_522 : memref<1x128x128xf32, #tpu.memory_space<vmem>> -> memref<128x128xf32, #tpu.memory_space<vmem>>
      %dma_wait3A_524 = arith.constant 0 : i32
      %dma_wait3A_525 = tpu.memref_slice %arg7[%dma_wait3A_519, %dma_wait3A_524] : memref<16x128xi32, #tpu.memory_space<vmem>> -> memref<1x128xi32, #tpu.memory_space<vmem>>
      %dma_wait3A_526 = tpu.memref_squeeze %dma_wait3A_525 : memref<1x128xi32, #tpu.memory_space<vmem>> -> memref<128xi32, #tpu.memory_space<vmem>>
      %dma_wait3A_527 = arith.constant 0 : i32
      %dma_wait3A_528 = arith.constant 0 : i32
      %dma_wait3A_529 = tpu.memref_slice %arg9[%dma_wait3A_527, %dma_wait3A_528] : memref<10240x128xf32, #tpu.memory_space<vmem_shared>> -> memref<10240x128xf32, #tpu.memory_space<vmem_shared>>
      tpu.wait_indirect_dma semaphore(%arg11 : memref<!tpu.dma_semaphore, #tpu.memory_space<semaphore_mem>>) src(%dma_wait3A_523 : memref<128x128xf32, #tpu.memory_space<vmem>>) dst(%dma_wait3A_529 : memref<10240x128xf32, #tpu.memory_space<vmem_shared>>)
      %dma_start3A_530 = arith.constant 11 : i32
      %dma_start3A_531 = arith.constant 1 : i32
      %dma_start3A_532 = arith.constant 0 : i32
      %dma_start3A_533 = arith.constant 0 : i32
      %dma_start3A_534 = tpu.memref_slice %arg8[%dma_start3A_531, %dma_start3A_532, %dma_start3A_533] : memref<2x128x128xf32, #tpu.memory_space<vmem>> -> memref<1x128x128xf32, #tpu.memory_space<vmem>>
      %dma_start3A_535 = tpu.memref_squeeze %dma_start3A_534 : memref<1x128x128xf32, #tpu.memory_space<vmem>> -> memref<128x128xf32, #tpu.memory_space<vmem>>
      %dma_start3A_536 = arith.constant 0 : i32
      %dma_start3A_537 = tpu.memref_slice %arg6[%dma_start3A_530, %dma_start3A_536] : memref<16x128xi32, #tpu.memory_space<vmem>> -> memref<1x128xi32, #tpu.memory_space<vmem>>
      %dma_start3A_538 = tpu.memref_squeeze %dma_start3A_537 : memref<1x128xi32, #tpu.memory_space<vmem>> -> memref<128xi32, #tpu.memory_space<vmem>>
      %dma_start3A_539 = arith.constant 0 : i32
      %dma_start3A_540 = arith.constant 0 : i32
      %dma_start3A_541 = tpu.memref_slice %arg2[%dma_start3A_539, %dma_start3A_540] : memref<10000x128xf32, #tpu.memory_space<hbm>> -> memref<10000x128xf32, #tpu.memory_space<hbm>>
      tpu.enqueue_indirect_dma source(%dma_start3A_541 : memref<10000x128xf32, #tpu.memory_space<hbm>>) target(%dma_start3A_535 : memref<128x128xf32, #tpu.memory_space<vmem>>) offsets(%dma_start3A_538 : memref<128xi32, #tpu.memory_space<vmem>>) semaphore(%arg10 : memref<!tpu.dma_semaphore, #tpu.memory_space<semaphore_mem>>)
      %dma_wait3A_542 = arith.constant 10 : i32
      %dma_wait3A_543 = arith.constant 0 : i32
      %dma_wait3A_544 = arith.constant 0 : i32
      %dma_wait3A_545 = arith.constant 0 : i32
      %dma_wait3A_546 = tpu.memref_slice %arg8[%dma_wait3A_543, %dma_wait3A_544, %dma_wait3A_545] : memref<2x128x128xf32, #tpu.memory_space<vmem>> -> memref<1x128x128xf32, #tpu.memory_space<vmem>>
      %dma_wait3A_547 = tpu.memref_squeeze %dma_wait3A_546 : memref<1x128x128xf32, #tpu.memory_space<vmem>> -> memref<128x128xf32, #tpu.memory_space<vmem>>
      %dma_wait3A_548 = arith.constant 0 : i32
      %dma_wait3A_549 = tpu.memref_slice %arg6[%dma_wait3A_542, %dma_wait3A_548] : memref<16x128xi32, #tpu.memory_space<vmem>> -> memref<1x128xi32, #tpu.memory_space<vmem>>
      %dma_wait3A_550 = tpu.memref_squeeze %dma_wait3A_549 : memref<1x128xi32, #tpu.memory_space<vmem>> -> memref<128xi32, #tpu.memory_space<vmem>>
      %dma_wait3A_551 = arith.constant 0 : i32
      %dma_wait3A_552 = arith.constant 0 : i32
      %dma_wait3A_553 = tpu.memref_slice %arg2[%dma_wait3A_551, %dma_wait3A_552] : memref<10000x128xf32, #tpu.memory_space<hbm>> -> memref<10000x128xf32, #tpu.memory_space<hbm>>
      tpu.wait_indirect_dma semaphore(%arg10 : memref<!tpu.dma_semaphore, #tpu.memory_space<semaphore_mem>>) src(%dma_wait3A_553 : memref<10000x128xf32, #tpu.memory_space<hbm>>) dst(%dma_wait3A_547 : memref<128x128xf32, #tpu.memory_space<vmem>>)
      %dma_start3A_554 = arith.constant 0 : i32
      %dma_start3A_555 = arith.constant 10 : i32
      %dma_start3A_556 = arith.constant 0 : i32
      %dma_start3A_557 = arith.constant 0 : i32
      %dma_start3A_558 = tpu.memref_slice %arg8[%dma_start3A_554, %dma_start3A_556, %dma_start3A_557] : memref<2x128x128xf32, #tpu.memory_space<vmem>> -> memref<1x128x128xf32, #tpu.memory_space<vmem>>
      %dma_start3A_559 = tpu.memref_squeeze %dma_start3A_558 : memref<1x128x128xf32, #tpu.memory_space<vmem>> -> memref<128x128xf32, #tpu.memory_space<vmem>>
      %dma_start3A_560 = arith.constant 0 : i32
      %dma_start3A_561 = tpu.memref_slice %arg7[%dma_start3A_555, %dma_start3A_560] : memref<16x128xi32, #tpu.memory_space<vmem>> -> memref<1x128xi32, #tpu.memory_space<vmem>>
      %dma_start3A_562 = tpu.memref_squeeze %dma_start3A_561 : memref<1x128xi32, #tpu.memory_space<vmem>> -> memref<128xi32, #tpu.memory_space<vmem>>
      %dma_start3A_563 = arith.constant 0 : i32
      %dma_start3A_564 = arith.constant 0 : i32
      %dma_start3A_565 = tpu.memref_slice %arg9[%dma_start3A_563, %dma_start3A_564] : memref<10240x128xf32, #tpu.memory_space<vmem_shared>> -> memref<10240x128xf32, #tpu.memory_space<vmem_shared>>
      tpu.enqueue_indirect_dma source(%dma_start3A_559 : memref<128x128xf32, #tpu.memory_space<vmem>>) target(%dma_start3A_565 : memref<10240x128xf32, #tpu.memory_space<vmem_shared>>) offsets(%dma_start3A_562 : memref<128xi32, #tpu.memory_space<vmem>>) semaphore(%arg11 : memref<!tpu.dma_semaphore, #tpu.memory_space<semaphore_mem>>) {add = true}
      %dma_wait3A_566 = arith.constant 0 : i32
      %dma_wait3A_567 = arith.constant 10 : i32
      %dma_wait3A_568 = arith.constant 0 : i32
      %dma_wait3A_569 = arith.constant 0 : i32
      %dma_wait3A_570 = tpu.memref_slice %arg8[%dma_wait3A_566, %dma_wait3A_568, %dma_wait3A_569] : memref<2x128x128xf32, #tpu.memory_space<vmem>> -> memref<1x128x128xf32, #tpu.memory_space<vmem>>
      %dma_wait3A_571 = tpu.memref_squeeze %dma_wait3A_570 : memref<1x128x128xf32, #tpu.memory_space<vmem>> -> memref<128x128xf32, #tpu.memory_space<vmem>>
      %dma_wait3A_572 = arith.constant 0 : i32
      %dma_wait3A_573 = tpu.memref_slice %arg7[%dma_wait3A_567, %dma_wait3A_572] : memref<16x128xi32, #tpu.memory_space<vmem>> -> memref<1x128xi32, #tpu.memory_space<vmem>>
      %dma_wait3A_574 = tpu.memref_squeeze %dma_wait3A_573 : memref<1x128xi32, #tpu.memory_space<vmem>> -> memref<128xi32, #tpu.memory_space<vmem>>
      %dma_wait3A_575 = arith.constant 0 : i32
      %dma_wait3A_576 = arith.constant 0 : i32
      %dma_wait3A_577 = tpu.memref_slice %arg9[%dma_wait3A_575, %dma_wait3A_576] : memref<10240x128xf32, #tpu.memory_space<vmem_shared>> -> memref<10240x128xf32, #tpu.memory_space<vmem_shared>>
      tpu.wait_indirect_dma semaphore(%arg11 : memref<!tpu.dma_semaphore, #tpu.memory_space<semaphore_mem>>) src(%dma_wait3A_571 : memref<128x128xf32, #tpu.memory_space<vmem>>) dst(%dma_wait3A_577 : memref<10240x128xf32, #tpu.memory_space<vmem_shared>>)
      %dma_start3A_578 = arith.constant 12 : i32
      %dma_start3A_579 = arith.constant 0 : i32
      %dma_start3A_580 = arith.constant 0 : i32
      %dma_start3A_581 = arith.constant 0 : i32
      %dma_start3A_582 = tpu.memref_slice %arg8[%dma_start3A_579, %dma_start3A_580, %dma_start3A_581] : memref<2x128x128xf32, #tpu.memory_space<vmem>> -> memref<1x128x128xf32, #tpu.memory_space<vmem>>
      %dma_start3A_583 = tpu.memref_squeeze %dma_start3A_582 : memref<1x128x128xf32, #tpu.memory_space<vmem>> -> memref<128x128xf32, #tpu.memory_space<vmem>>
      %dma_start3A_584 = arith.constant 0 : i32
      %dma_start3A_585 = tpu.memref_slice %arg6[%dma_start3A_578, %dma_start3A_584] : memref<16x128xi32, #tpu.memory_space<vmem>> -> memref<1x128xi32, #tpu.memory_space<vmem>>
      %dma_start3A_586 = tpu.memref_squeeze %dma_start3A_585 : memref<1x128xi32, #tpu.memory_space<vmem>> -> memref<128xi32, #tpu.memory_space<vmem>>
      %dma_start3A_587 = arith.constant 0 : i32
      %dma_start3A_588 = arith.constant 0 : i32
      %dma_start3A_589 = tpu.memref_slice %arg2[%dma_start3A_587, %dma_start3A_588] : memref<10000x128xf32, #tpu.memory_space<hbm>> -> memref<10000x128xf32, #tpu.memory_space<hbm>>
      tpu.enqueue_indirect_dma source(%dma_start3A_589 : memref<10000x128xf32, #tpu.memory_space<hbm>>) target(%dma_start3A_583 : memref<128x128xf32, #tpu.memory_space<vmem>>) offsets(%dma_start3A_586 : memref<128xi32, #tpu.memory_space<vmem>>) semaphore(%arg10 : memref<!tpu.dma_semaphore, #tpu.memory_space<semaphore_mem>>)
      %dma_wait3A_590 = arith.constant 11 : i32
      %dma_wait3A_591 = arith.constant 1 : i32
      %dma_wait3A_592 = arith.constant 0 : i32
      %dma_wait3A_593 = arith.constant 0 : i32
      %dma_wait3A_594 = tpu.memref_slice %arg8[%dma_wait3A_591, %dma_wait3A_592, %dma_wait3A_593] : memref<2x128x128xf32, #tpu.memory_space<vmem>> -> memref<1x128x128xf32, #tpu.memory_space<vmem>>
      %dma_wait3A_595 = tpu.memref_squeeze %dma_wait3A_594 : memref<1x128x128xf32, #tpu.memory_space<vmem>> -> memref<128x128xf32, #tpu.memory_space<vmem>>
      %dma_wait3A_596 = arith.constant 0 : i32
      %dma_wait3A_597 = tpu.memref_slice %arg6[%dma_wait3A_590, %dma_wait3A_596] : memref<16x128xi32, #tpu.memory_space<vmem>> -> memref<1x128xi32, #tpu.memory_space<vmem>>
      %dma_wait3A_598 = tpu.memref_squeeze %dma_wait3A_597 : memref<1x128xi32, #tpu.memory_space<vmem>> -> memref<128xi32, #tpu.memory_space<vmem>>
      %dma_wait3A_599 = arith.constant 0 : i32
      %dma_wait3A_600 = arith.constant 0 : i32
      %dma_wait3A_601 = tpu.memref_slice %arg2[%dma_wait3A_599, %dma_wait3A_600] : memref<10000x128xf32, #tpu.memory_space<hbm>> -> memref<10000x128xf32, #tpu.memory_space<hbm>>
      tpu.wait_indirect_dma semaphore(%arg10 : memref<!tpu.dma_semaphore, #tpu.memory_space<semaphore_mem>>) src(%dma_wait3A_601 : memref<10000x128xf32, #tpu.memory_space<hbm>>) dst(%dma_wait3A_595 : memref<128x128xf32, #tpu.memory_space<vmem>>)
      %dma_start3A_602 = arith.constant 1 : i32
      %dma_start3A_603 = arith.constant 11 : i32
      %dma_start3A_604 = arith.constant 0 : i32
      %dma_start3A_605 = arith.constant 0 : i32
      %dma_start3A_606 = tpu.memref_slice %arg8[%dma_start3A_602, %dma_start3A_604, %dma_start3A_605] : memref<2x128x128xf32, #tpu.memory_space<vmem>> -> memref<1x128x128xf32, #tpu.memory_space<vmem>>
      %dma_start3A_607 = tpu.memref_squeeze %dma_start3A_606 : memref<1x128x128xf32, #tpu.memory_space<vmem>> -> memref<128x128xf32, #tpu.memory_space<vmem>>
      %dma_start3A_608 = arith.constant 0 : i32
      %dma_start3A_609 = tpu.memref_slice %arg7[%dma_start3A_603, %dma_start3A_608] : memref<16x128xi32, #tpu.memory_space<vmem>> -> memref<1x128xi32, #tpu.memory_space<vmem>>
      %dma_start3A_610 = tpu.memref_squeeze %dma_start3A_609 : memref<1x128xi32, #tpu.memory_space<vmem>> -> memref<128xi32, #tpu.memory_space<vmem>>
      %dma_start3A_611 = arith.constant 0 : i32
      %dma_start3A_612 = arith.constant 0 : i32
      %dma_start3A_613 = tpu.memref_slice %arg9[%dma_start3A_611, %dma_start3A_612] : memref<10240x128xf32, #tpu.memory_space<vmem_shared>> -> memref<10240x128xf32, #tpu.memory_space<vmem_shared>>
      tpu.enqueue_indirect_dma source(%dma_start3A_607 : memref<128x128xf32, #tpu.memory_space<vmem>>) target(%dma_start3A_613 : memref<10240x128xf32, #tpu.memory_space<vmem_shared>>) offsets(%dma_start3A_610 : memref<128xi32, #tpu.memory_space<vmem>>) semaphore(%arg11 : memref<!tpu.dma_semaphore, #tpu.memory_space<semaphore_mem>>) {add = true}
      %dma_wait3A_614 = arith.constant 1 : i32
      %dma_wait3A_615 = arith.constant 11 : i32
      %dma_wait3A_616 = arith.constant 0 : i32
      %dma_wait3A_617 = arith.constant 0 : i32
      %dma_wait3A_618 = tpu.memref_slice %arg8[%dma_wait3A_614, %dma_wait3A_616, %dma_wait3A_617] : memref<2x128x128xf32, #tpu.memory_space<vmem>> -> memref<1x128x128xf32, #tpu.memory_space<vmem>>
      %dma_wait3A_619 = tpu.memref_squeeze %dma_wait3A_618 : memref<1x128x128xf32, #tpu.memory_space<vmem>> -> memref<128x128xf32, #tpu.memory_space<vmem>>
      %dma_wait3A_620 = arith.constant 0 : i32
      %dma_wait3A_621 = tpu.memref_slice %arg7[%dma_wait3A_615, %dma_wait3A_620] : memref<16x128xi32, #tpu.memory_space<vmem>> -> memref<1x128xi32, #tpu.memory_space<vmem>>
      %dma_wait3A_622 = tpu.memref_squeeze %dma_wait3A_621 : memref<1x128xi32, #tpu.memory_space<vmem>> -> memref<128xi32, #tpu.memory_space<vmem>>
      %dma_wait3A_623 = arith.constant 0 : i32
      %dma_wait3A_624 = arith.constant 0 : i32
      %dma_wait3A_625 = tpu.memref_slice %arg9[%dma_wait3A_623, %dma_wait3A_624] : memref<10240x128xf32, #tpu.memory_space<vmem_shared>> -> memref<10240x128xf32, #tpu.memory_space<vmem_shared>>
      tpu.wait_indirect_dma semaphore(%arg11 : memref<!tpu.dma_semaphore, #tpu.memory_space<semaphore_mem>>) src(%dma_wait3A_619 : memref<128x128xf32, #tpu.memory_space<vmem>>) dst(%dma_wait3A_625 : memref<10240x128xf32, #tpu.memory_space<vmem_shared>>)
      %dma_start3A_626 = arith.constant 13 : i32
      %dma_start3A_627 = arith.constant 1 : i32
      %dma_start3A_628 = arith.constant 0 : i32
      %dma_start3A_629 = arith.constant 0 : i32
      %dma_start3A_630 = tpu.memref_slice %arg8[%dma_start3A_627, %dma_start3A_628, %dma_start3A_629] : memref<2x128x128xf32, #tpu.memory_space<vmem>> -> memref<1x128x128xf32, #tpu.memory_space<vmem>>
      %dma_start3A_631 = tpu.memref_squeeze %dma_start3A_630 : memref<1x128x128xf32, #tpu.memory_space<vmem>> -> memref<128x128xf32, #tpu.memory_space<vmem>>
      %dma_start3A_632 = arith.constant 0 : i32
      %dma_start3A_633 = tpu.memref_slice %arg6[%dma_start3A_626, %dma_start3A_632] : memref<16x128xi32, #tpu.memory_space<vmem>> -> memref<1x128xi32, #tpu.memory_space<vmem>>
      %dma_start3A_634 = tpu.memref_squeeze %dma_start3A_633 : memref<1x128xi32, #tpu.memory_space<vmem>> -> memref<128xi32, #tpu.memory_space<vmem>>
      %dma_start3A_635 = arith.constant 0 : i32
      %dma_start3A_636 = arith.constant 0 : i32
      %dma_start3A_637 = tpu.memref_slice %arg2[%dma_start3A_635, %dma_start3A_636] : memref<10000x128xf32, #tpu.memory_space<hbm>> -> memref<10000x128xf32, #tpu.memory_space<hbm>>
      tpu.enqueue_indirect_dma source(%dma_start3A_637 : memref<10000x128xf32, #tpu.memory_space<hbm>>) target(%dma_start3A_631 : memref<128x128xf32, #tpu.memory_space<vmem>>) offsets(%dma_start3A_634 : memref<128xi32, #tpu.memory_space<vmem>>) semaphore(%arg10 : memref<!tpu.dma_semaphore, #tpu.memory_space<semaphore_mem>>)
      %dma_wait3A_638 = arith.constant 12 : i32
      %dma_wait3A_639 = arith.constant 0 : i32
      %dma_wait3A_640 = arith.constant 0 : i32
      %dma_wait3A_641 = arith.constant 0 : i32
      %dma_wait3A_642 = tpu.memref_slice %arg8[%dma_wait3A_639, %dma_wait3A_640, %dma_wait3A_641] : memref<2x128x128xf32, #tpu.memory_space<vmem>> -> memref<1x128x128xf32, #tpu.memory_space<vmem>>
      %dma_wait3A_643 = tpu.memref_squeeze %dma_wait3A_642 : memref<1x128x128xf32, #tpu.memory_space<vmem>> -> memref<128x128xf32, #tpu.memory_space<vmem>>
      %dma_wait3A_644 = arith.constant 0 : i32
      %dma_wait3A_645 = tpu.memref_slice %arg6[%dma_wait3A_638, %dma_wait3A_644] : memref<16x128xi32, #tpu.memory_space<vmem>> -> memref<1x128xi32, #tpu.memory_space<vmem>>
      %dma_wait3A_646 = tpu.memref_squeeze %dma_wait3A_645 : memref<1x128xi32, #tpu.memory_space<vmem>> -> memref<128xi32, #tpu.memory_space<vmem>>
      %dma_wait3A_647 = arith.constant 0 : i32
      %dma_wait3A_648 = arith.constant 0 : i32
      %dma_wait3A_649 = tpu.memref_slice %arg2[%dma_wait3A_647, %dma_wait3A_648] : memref<10000x128xf32, #tpu.memory_space<hbm>> -> memref<10000x128xf32, #tpu.memory_space<hbm>>
      tpu.wait_indirect_dma semaphore(%arg10 : memref<!tpu.dma_semaphore, #tpu.memory_space<semaphore_mem>>) src(%dma_wait3A_649 : memref<10000x128xf32, #tpu.memory_space<hbm>>) dst(%dma_wait3A_643 : memref<128x128xf32, #tpu.memory_space<vmem>>)
      %dma_start3A_650 = arith.constant 0 : i32
      %dma_start3A_651 = arith.constant 12 : i32
      %dma_start3A_652 = arith.constant 0 : i32
      %dma_start3A_653 = arith.constant 0 : i32
      %dma_start3A_654 = tpu.memref_slice %arg8[%dma_start3A_650, %dma_start3A_652, %dma_start3A_653] : memref<2x128x128xf32, #tpu.memory_space<vmem>> -> memref<1x128x128xf32, #tpu.memory_space<vmem>>
      %dma_start3A_655 = tpu.memref_squeeze %dma_start3A_654 : memref<1x128x128xf32, #tpu.memory_space<vmem>> -> memref<128x128xf32, #tpu.memory_space<vmem>>
      %dma_start3A_656 = arith.constant 0 : i32
      %dma_start3A_657 = tpu.memref_slice %arg7[%dma_start3A_651, %dma_start3A_656] : memref<16x128xi32, #tpu.memory_space<vmem>> -> memref<1x128xi32, #tpu.memory_space<vmem>>
      %dma_start3A_658 = tpu.memref_squeeze %dma_start3A_657 : memref<1x128xi32, #tpu.memory_space<vmem>> -> memref<128xi32, #tpu.memory_space<vmem>>
      %dma_start3A_659 = arith.constant 0 : i32
      %dma_start3A_660 = arith.constant 0 : i32
      %dma_start3A_661 = tpu.memref_slice %arg9[%dma_start3A_659, %dma_start3A_660] : memref<10240x128xf32, #tpu.memory_space<vmem_shared>> -> memref<10240x128xf32, #tpu.memory_space<vmem_shared>>
      tpu.enqueue_indirect_dma source(%dma_start3A_655 : memref<128x128xf32, #tpu.memory_space<vmem>>) target(%dma_start3A_661 : memref<10240x128xf32, #tpu.memory_space<vmem_shared>>) offsets(%dma_start3A_658 : memref<128xi32, #tpu.memory_space<vmem>>) semaphore(%arg11 : memref<!tpu.dma_semaphore, #tpu.memory_space<semaphore_mem>>) {add = true}
      %dma_wait3A_662 = arith.constant 0 : i32
      %dma_wait3A_663 = arith.constant 12 : i32
      %dma_wait3A_664 = arith.constant 0 : i32
      %dma_wait3A_665 = arith.constant 0 : i32
      %dma_wait3A_666 = tpu.memref_slice %arg8[%dma_wait3A_662, %dma_wait3A_664, %dma_wait3A_665] : memref<2x128x128xf32, #tpu.memory_space<vmem>> -> memref<1x128x128xf32, #tpu.memory_space<vmem>>
      %dma_wait3A_667 = tpu.memref_squeeze %dma_wait3A_666 : memref<1x128x128xf32, #tpu.memory_space<vmem>> -> memref<128x128xf32, #tpu.memory_space<vmem>>
      %dma_wait3A_668 = arith.constant 0 : i32
      %dma_wait3A_669 = tpu.memref_slice %arg7[%dma_wait3A_663, %dma_wait3A_668] : memref<16x128xi32, #tpu.memory_space<vmem>> -> memref<1x128xi32, #tpu.memory_space<vmem>>
      %dma_wait3A_670 = tpu.memref_squeeze %dma_wait3A_669 : memref<1x128xi32, #tpu.memory_space<vmem>> -> memref<128xi32, #tpu.memory_space<vmem>>
      %dma_wait3A_671 = arith.constant 0 : i32
      %dma_wait3A_672 = arith.constant 0 : i32
      %dma_wait3A_673 = tpu.memref_slice %arg9[%dma_wait3A_671, %dma_wait3A_672] : memref<10240x128xf32, #tpu.memory_space<vmem_shared>> -> memref<10240x128xf32, #tpu.memory_space<vmem_shared>>
      tpu.wait_indirect_dma semaphore(%arg11 : memref<!tpu.dma_semaphore, #tpu.memory_space<semaphore_mem>>) src(%dma_wait3A_667 : memref<128x128xf32, #tpu.memory_space<vmem>>) dst(%dma_wait3A_673 : memref<10240x128xf32, #tpu.memory_space<vmem_shared>>)
      %dma_start3A_674 = arith.constant 14 : i32
      %dma_start3A_675 = arith.constant 0 : i32
      %dma_start3A_676 = arith.constant 0 : i32
      %dma_start3A_677 = arith.constant 0 : i32
      %dma_start3A_678 = tpu.memref_slice %arg8[%dma_start3A_675, %dma_start3A_676, %dma_start3A_677] : memref<2x128x128xf32, #tpu.memory_space<vmem>> -> memref<1x128x128xf32, #tpu.memory_space<vmem>>
      %dma_start3A_679 = tpu.memref_squeeze %dma_start3A_678 : memref<1x128x128xf32, #tpu.memory_space<vmem>> -> memref<128x128xf32, #tpu.memory_space<vmem>>
      %dma_start3A_680 = arith.constant 0 : i32
      %dma_start3A_681 = tpu.memref_slice %arg6[%dma_start3A_674, %dma_start3A_680] : memref<16x128xi32, #tpu.memory_space<vmem>> -> memref<1x128xi32, #tpu.memory_space<vmem>>
      %dma_start3A_682 = tpu.memref_squeeze %dma_start3A_681 : memref<1x128xi32, #tpu.memory_space<vmem>> -> memref<128xi32, #tpu.memory_space<vmem>>
      %dma_start3A_683 = arith.constant 0 : i32
      %dma_start3A_684 = arith.constant 0 : i32
      %dma_start3A_685 = tpu.memref_slice %arg2[%dma_start3A_683, %dma_start3A_684] : memref<10000x128xf32, #tpu.memory_space<hbm>> -> memref<10000x128xf32, #tpu.memory_space<hbm>>
      tpu.enqueue_indirect_dma source(%dma_start3A_685 : memref<10000x128xf32, #tpu.memory_space<hbm>>) target(%dma_start3A_679 : memref<128x128xf32, #tpu.memory_space<vmem>>) offsets(%dma_start3A_682 : memref<128xi32, #tpu.memory_space<vmem>>) semaphore(%arg10 : memref<!tpu.dma_semaphore, #tpu.memory_space<semaphore_mem>>)
      %dma_wait3A_686 = arith.constant 13 : i32
      %dma_wait3A_687 = arith.constant 1 : i32
      %dma_wait3A_688 = arith.constant 0 : i32
      %dma_wait3A_689 = arith.constant 0 : i32
      %dma_wait3A_690 = tpu.memref_slice %arg8[%dma_wait3A_687, %dma_wait3A_688, %dma_wait3A_689] : memref<2x128x128xf32, #tpu.memory_space<vmem>> -> memref<1x128x128xf32, #tpu.memory_space<vmem>>
      %dma_wait3A_691 = tpu.memref_squeeze %dma_wait3A_690 : memref<1x128x128xf32, #tpu.memory_space<vmem>> -> memref<128x128xf32, #tpu.memory_space<vmem>>
      %dma_wait3A_692 = arith.constant 0 : i32
      %dma_wait3A_693 = tpu.memref_slice %arg6[%dma_wait3A_686, %dma_wait3A_692] : memref<16x128xi32, #tpu.memory_space<vmem>> -> memref<1x128xi32, #tpu.memory_space<vmem>>
      %dma_wait3A_694 = tpu.memref_squeeze %dma_wait3A_693 : memref<1x128xi32, #tpu.memory_space<vmem>> -> memref<128xi32, #tpu.memory_space<vmem>>
      %dma_wait3A_695 = arith.constant 0 : i32
      %dma_wait3A_696 = arith.constant 0 : i32
      %dma_wait3A_697 = tpu.memref_slice %arg2[%dma_wait3A_695, %dma_wait3A_696] : memref<10000x128xf32, #tpu.memory_space<hbm>> -> memref<10000x128xf32, #tpu.memory_space<hbm>>
      tpu.wait_indirect_dma semaphore(%arg10 : memref<!tpu.dma_semaphore, #tpu.memory_space<semaphore_mem>>) src(%dma_wait3A_697 : memref<10000x128xf32, #tpu.memory_space<hbm>>) dst(%dma_wait3A_691 : memref<128x128xf32, #tpu.memory_space<vmem>>)
      %dma_start3A_698 = arith.constant 1 : i32
      %dma_start3A_699 = arith.constant 13 : i32
      %dma_start3A_700 = arith.constant 0 : i32
      %dma_start3A_701 = arith.constant 0 : i32
      %dma_start3A_702 = tpu.memref_slice %arg8[%dma_start3A_698, %dma_start3A_700, %dma_start3A_701] : memref<2x128x128xf32, #tpu.memory_space<vmem>> -> memref<1x128x128xf32, #tpu.memory_space<vmem>>
      %dma_start3A_703 = tpu.memref_squeeze %dma_start3A_702 : memref<1x128x128xf32, #tpu.memory_space<vmem>> -> memref<128x128xf32, #tpu.memory_space<vmem>>
      %dma_start3A_704 = arith.constant 0 : i32
      %dma_start3A_705 = tpu.memref_slice %arg7[%dma_start3A_699, %dma_start3A_704] : memref<16x128xi32, #tpu.memory_space<vmem>> -> memref<1x128xi32, #tpu.memory_space<vmem>>
      %dma_start3A_706 = tpu.memref_squeeze %dma_start3A_705 : memref<1x128xi32, #tpu.memory_space<vmem>> -> memref<128xi32, #tpu.memory_space<vmem>>
      %dma_start3A_707 = arith.constant 0 : i32
      %dma_start3A_708 = arith.constant 0 : i32
      %dma_start3A_709 = tpu.memref_slice %arg9[%dma_start3A_707, %dma_start3A_708] : memref<10240x128xf32, #tpu.memory_space<vmem_shared>> -> memref<10240x128xf32, #tpu.memory_space<vmem_shared>>
      tpu.enqueue_indirect_dma source(%dma_start3A_703 : memref<128x128xf32, #tpu.memory_space<vmem>>) target(%dma_start3A_709 : memref<10240x128xf32, #tpu.memory_space<vmem_shared>>) offsets(%dma_start3A_706 : memref<128xi32, #tpu.memory_space<vmem>>) semaphore(%arg11 : memref<!tpu.dma_semaphore, #tpu.memory_space<semaphore_mem>>) {add = true}
      %dma_wait3A_710 = arith.constant 1 : i32
      %dma_wait3A_711 = arith.constant 13 : i32
      %dma_wait3A_712 = arith.constant 0 : i32
      %dma_wait3A_713 = arith.constant 0 : i32
      %dma_wait3A_714 = tpu.memref_slice %arg8[%dma_wait3A_710, %dma_wait3A_712, %dma_wait3A_713] : memref<2x128x128xf32, #tpu.memory_space<vmem>> -> memref<1x128x128xf32, #tpu.memory_space<vmem>>
      %dma_wait3A_715 = tpu.memref_squeeze %dma_wait3A_714 : memref<1x128x128xf32, #tpu.memory_space<vmem>> -> memref<128x128xf32, #tpu.memory_space<vmem>>
      %dma_wait3A_716 = arith.constant 0 : i32
      %dma_wait3A_717 = tpu.memref_slice %arg7[%dma_wait3A_711, %dma_wait3A_716] : memref<16x128xi32, #tpu.memory_space<vmem>> -> memref<1x128xi32, #tpu.memory_space<vmem>>
      %dma_wait3A_718 = tpu.memref_squeeze %dma_wait3A_717 : memref<1x128xi32, #tpu.memory_space<vmem>> -> memref<128xi32, #tpu.memory_space<vmem>>
      %dma_wait3A_719 = arith.constant 0 : i32
      %dma_wait3A_720 = arith.constant 0 : i32
      %dma_wait3A_721 = tpu.memref_slice %arg9[%dma_wait3A_719, %dma_wait3A_720] : memref<10240x128xf32, #tpu.memory_space<vmem_shared>> -> memref<10240x128xf32, #tpu.memory_space<vmem_shared>>
      tpu.wait_indirect_dma semaphore(%arg11 : memref<!tpu.dma_semaphore, #tpu.memory_space<semaphore_mem>>) src(%dma_wait3A_715 : memref<128x128xf32, #tpu.memory_space<vmem>>) dst(%dma_wait3A_721 : memref<10240x128xf32, #tpu.memory_space<vmem_shared>>)
      %dma_start3A_722 = arith.constant 15 : i32
      %dma_start3A_723 = arith.constant 1 : i32
      %dma_start3A_724 = arith.constant 0 : i32
      %dma_start3A_725 = arith.constant 0 : i32
      %dma_start3A_726 = tpu.memref_slice %arg8[%dma_start3A_723, %dma_start3A_724, %dma_start3A_725] : memref<2x128x128xf32, #tpu.memory_space<vmem>> -> memref<1x128x128xf32, #tpu.memory_space<vmem>>
      %dma_start3A_727 = tpu.memref_squeeze %dma_start3A_726 : memref<1x128x128xf32, #tpu.memory_space<vmem>> -> memref<128x128xf32, #tpu.memory_space<vmem>>
      %dma_start3A_728 = arith.constant 0 : i32
      %dma_start3A_729 = tpu.memref_slice %arg6[%dma_start3A_722, %dma_start3A_728] : memref<16x128xi32, #tpu.memory_space<vmem>> -> memref<1x128xi32, #tpu.memory_space<vmem>>
      %dma_start3A_730 = tpu.memref_squeeze %dma_start3A_729 : memref<1x128xi32, #tpu.memory_space<vmem>> -> memref<128xi32, #tpu.memory_space<vmem>>
      %dma_start3A_731 = arith.constant 0 : i32
      %dma_start3A_732 = arith.constant 0 : i32
      %dma_start3A_733 = tpu.memref_slice %arg2[%dma_start3A_731, %dma_start3A_732] : memref<10000x128xf32, #tpu.memory_space<hbm>> -> memref<10000x128xf32, #tpu.memory_space<hbm>>
      tpu.enqueue_indirect_dma source(%dma_start3A_733 : memref<10000x128xf32, #tpu.memory_space<hbm>>) target(%dma_start3A_727 : memref<128x128xf32, #tpu.memory_space<vmem>>) offsets(%dma_start3A_730 : memref<128xi32, #tpu.memory_space<vmem>>) semaphore(%arg10 : memref<!tpu.dma_semaphore, #tpu.memory_space<semaphore_mem>>)
      %dma_wait3A_734 = arith.constant 14 : i32
      %dma_wait3A_735 = arith.constant 0 : i32
      %dma_wait3A_736 = arith.constant 0 : i32
      %dma_wait3A_737 = arith.constant 0 : i32
      %dma_wait3A_738 = tpu.memref_slice %arg8[%dma_wait3A_735, %dma_wait3A_736, %dma_wait3A_737] : memref<2x128x128xf32, #tpu.memory_space<vmem>> -> memref<1x128x128xf32, #tpu.memory_space<vmem>>
      %dma_wait3A_739 = tpu.memref_squeeze %dma_wait3A_738 : memref<1x128x128xf32, #tpu.memory_space<vmem>> -> memref<128x128xf32, #tpu.memory_space<vmem>>
      %dma_wait3A_740 = arith.constant 0 : i32
      %dma_wait3A_741 = tpu.memref_slice %arg6[%dma_wait3A_734, %dma_wait3A_740] : memref<16x128xi32, #tpu.memory_space<vmem>> -> memref<1x128xi32, #tpu.memory_space<vmem>>
      %dma_wait3A_742 = tpu.memref_squeeze %dma_wait3A_741 : memref<1x128xi32, #tpu.memory_space<vmem>> -> memref<128xi32, #tpu.memory_space<vmem>>
      %dma_wait3A_743 = arith.constant 0 : i32
      %dma_wait3A_744 = arith.constant 0 : i32
      %dma_wait3A_745 = tpu.memref_slice %arg2[%dma_wait3A_743, %dma_wait3A_744] : memref<10000x128xf32, #tpu.memory_space<hbm>> -> memref<10000x128xf32, #tpu.memory_space<hbm>>
      tpu.wait_indirect_dma semaphore(%arg10 : memref<!tpu.dma_semaphore, #tpu.memory_space<semaphore_mem>>) src(%dma_wait3A_745 : memref<10000x128xf32, #tpu.memory_space<hbm>>) dst(%dma_wait3A_739 : memref<128x128xf32, #tpu.memory_space<vmem>>)
      %dma_start3A_746 = arith.constant 0 : i32
      %dma_start3A_747 = arith.constant 14 : i32
      %dma_start3A_748 = arith.constant 0 : i32
      %dma_start3A_749 = arith.constant 0 : i32
      %dma_start3A_750 = tpu.memref_slice %arg8[%dma_start3A_746, %dma_start3A_748, %dma_start3A_749] : memref<2x128x128xf32, #tpu.memory_space<vmem>> -> memref<1x128x128xf32, #tpu.memory_space<vmem>>
      %dma_start3A_751 = tpu.memref_squeeze %dma_start3A_750 : memref<1x128x128xf32, #tpu.memory_space<vmem>> -> memref<128x128xf32, #tpu.memory_space<vmem>>
      %dma_start3A_752 = arith.constant 0 : i32
      %dma_start3A_753 = tpu.memref_slice %arg7[%dma_start3A_747, %dma_start3A_752] : memref<16x128xi32, #tpu.memory_space<vmem>> -> memref<1x128xi32, #tpu.memory_space<vmem>>
      %dma_start3A_754 = tpu.memref_squeeze %dma_start3A_753 : memref<1x128xi32, #tpu.memory_space<vmem>> -> memref<128xi32, #tpu.memory_space<vmem>>
      %dma_start3A_755 = arith.constant 0 : i32
      %dma_start3A_756 = arith.constant 0 : i32
      %dma_start3A_757 = tpu.memref_slice %arg9[%dma_start3A_755, %dma_start3A_756] : memref<10240x128xf32, #tpu.memory_space<vmem_shared>> -> memref<10240x128xf32, #tpu.memory_space<vmem_shared>>
      tpu.enqueue_indirect_dma source(%dma_start3A_751 : memref<128x128xf32, #tpu.memory_space<vmem>>) target(%dma_start3A_757 : memref<10240x128xf32, #tpu.memory_space<vmem_shared>>) offsets(%dma_start3A_754 : memref<128xi32, #tpu.memory_space<vmem>>) semaphore(%arg11 : memref<!tpu.dma_semaphore, #tpu.memory_space<semaphore_mem>>) {add = true}
      %dma_wait3A_758 = arith.constant 0 : i32
      %dma_wait3A_759 = arith.constant 14 : i32
      %dma_wait3A_760 = arith.constant 0 : i32
      %dma_wait3A_761 = arith.constant 0 : i32
      %dma_wait3A_762 = tpu.memref_slice %arg8[%dma_wait3A_758, %dma_wait3A_760, %dma_wait3A_761] : memref<2x128x128xf32, #tpu.memory_space<vmem>> -> memref<1x128x128xf32, #tpu.memory_space<vmem>>
      %dma_wait3A_763 = tpu.memref_squeeze %dma_wait3A_762 : memref<1x128x128xf32, #tpu.memory_space<vmem>> -> memref<128x128xf32, #tpu.memory_space<vmem>>
      %dma_wait3A_764 = arith.constant 0 : i32
      %dma_wait3A_765 = tpu.memref_slice %arg7[%dma_wait3A_759, %dma_wait3A_764] : memref<16x128xi32, #tpu.memory_space<vmem>> -> memref<1x128xi32, #tpu.memory_space<vmem>>
      %dma_wait3A_766 = tpu.memref_squeeze %dma_wait3A_765 : memref<1x128xi32, #tpu.memory_space<vmem>> -> memref<128xi32, #tpu.memory_space<vmem>>
      %dma_wait3A_767 = arith.constant 0 : i32
      %dma_wait3A_768 = arith.constant 0 : i32
      %dma_wait3A_769 = tpu.memref_slice %arg9[%dma_wait3A_767, %dma_wait3A_768] : memref<10240x128xf32, #tpu.memory_space<vmem_shared>> -> memref<10240x128xf32, #tpu.memory_space<vmem_shared>>
      tpu.wait_indirect_dma semaphore(%arg11 : memref<!tpu.dma_semaphore, #tpu.memory_space<semaphore_mem>>) src(%dma_wait3A_763 : memref<128x128xf32, #tpu.memory_space<vmem>>) dst(%dma_wait3A_769 : memref<10240x128xf32, #tpu.memory_space<vmem_shared>>)
      %dma_wait3A_770 = arith.constant 15 : i32
      %dma_wait3A_771 = arith.constant 1 : i32
      %dma_wait3A_772 = arith.constant 0 : i32
      %dma_wait3A_773 = arith.constant 0 : i32
      %dma_wait3A_774 = tpu.memref_slice %arg8[%dma_wait3A_771, %dma_wait3A_772, %dma_wait3A_773] : memref<2x128x128xf32, #tpu.memory_space<vmem>> -> memref<1x128x128xf32, #tpu.memory_space<vmem>>
      %dma_wait3A_775 = tpu.memref_squeeze %dma_wait3A_774 : memref<1x128x128xf32, #tpu.memory_space<vmem>> -> memref<128x128xf32, #tpu.memory_space<vmem>>
      %dma_wait3A_776 = arith.constant 0 : i32
      %dma_wait3A_777 = tpu.memref_slice %arg6[%dma_wait3A_770, %dma_wait3A_776] : memref<16x128xi32, #tpu.memory_space<vmem>> -> memref<1x128xi32, #tpu.memory_space<vmem>>
      %dma_wait3A_778 = tpu.memref_squeeze %dma_wait3A_777 : memref<1x128xi32, #tpu.memory_space<vmem>> -> memref<128xi32, #tpu.memory_space<vmem>>
      %dma_wait3A_779 = arith.constant 0 : i32
      %dma_wait3A_780 = arith.constant 0 : i32
      %dma_wait3A_781 = tpu.memref_slice %arg2[%dma_wait3A_779, %dma_wait3A_780] : memref<10000x128xf32, #tpu.memory_space<hbm>> -> memref<10000x128xf32, #tpu.memory_space<hbm>>
      tpu.wait_indirect_dma semaphore(%arg10 : memref<!tpu.dma_semaphore, #tpu.memory_space<semaphore_mem>>) src(%dma_wait3A_781 : memref<10000x128xf32, #tpu.memory_space<hbm>>) dst(%dma_wait3A_775 : memref<128x128xf32, #tpu.memory_space<vmem>>)
      %dma_start3A_782 = arith.constant 1 : i32
      %dma_start3A_783 = arith.constant 15 : i32
      %dma_start3A_784 = arith.constant 0 : i32
      %dma_start3A_785 = arith.constant 0 : i32
      %dma_start3A_786 = tpu.memref_slice %arg8[%dma_start3A_782, %dma_start3A_784, %dma_start3A_785] : memref<2x128x128xf32, #tpu.memory_space<vmem>> -> memref<1x128x128xf32, #tpu.memory_space<vmem>>
      %dma_start3A_787 = tpu.memref_squeeze %dma_start3A_786 : memref<1x128x128xf32, #tpu.memory_space<vmem>> -> memref<128x128xf32, #tpu.memory_space<vmem>>
      %dma_start3A_788 = arith.constant 0 : i32
      %dma_start3A_789 = tpu.memref_slice %arg7[%dma_start3A_783, %dma_start3A_788] : memref<16x128xi32, #tpu.memory_space<vmem>> -> memref<1x128xi32, #tpu.memory_space<vmem>>
      %dma_start3A_790 = tpu.memref_squeeze %dma_start3A_789 : memref<1x128xi32, #tpu.memory_space<vmem>> -> memref<128xi32, #tpu.memory_space<vmem>>
      %dma_start3A_791 = arith.constant 0 : i32
      %dma_start3A_792 = arith.constant 0 : i32
      %dma_start3A_793 = tpu.memref_slice %arg9[%dma_start3A_791, %dma_start3A_792] : memref<10240x128xf32, #tpu.memory_space<vmem_shared>> -> memref<10240x128xf32, #tpu.memory_space<vmem_shared>>
      tpu.enqueue_indirect_dma source(%dma_start3A_787 : memref<128x128xf32, #tpu.memory_space<vmem>>) target(%dma_start3A_793 : memref<10240x128xf32, #tpu.memory_space<vmem_shared>>) offsets(%dma_start3A_790 : memref<128xi32, #tpu.memory_space<vmem>>) semaphore(%arg11 : memref<!tpu.dma_semaphore, #tpu.memory_space<semaphore_mem>>) {add = true}
      %dma_wait3A_794 = arith.constant 1 : i32
      %dma_wait3A_795 = arith.constant 15 : i32
      %dma_wait3A_796 = arith.constant 0 : i32
      %dma_wait3A_797 = arith.constant 0 : i32
      %dma_wait3A_798 = tpu.memref_slice %arg8[%dma_wait3A_794, %dma_wait3A_796, %dma_wait3A_797] : memref<2x128x128xf32, #tpu.memory_space<vmem>> -> memref<1x128x128xf32, #tpu.memory_space<vmem>>
      %dma_wait3A_799 = tpu.memref_squeeze %dma_wait3A_798 : memref<1x128x128xf32, #tpu.memory_space<vmem>> -> memref<128x128xf32, #tpu.memory_space<vmem>>
      %dma_wait3A_800 = arith.constant 0 : i32
      %dma_wait3A_801 = tpu.memref_slice %arg7[%dma_wait3A_795, %dma_wait3A_800] : memref<16x128xi32, #tpu.memory_space<vmem>> -> memref<1x128xi32, #tpu.memory_space<vmem>>
      %dma_wait3A_802 = tpu.memref_squeeze %dma_wait3A_801 : memref<1x128xi32, #tpu.memory_space<vmem>> -> memref<128xi32, #tpu.memory_space<vmem>>
      %dma_wait3A_803 = arith.constant 0 : i32
      %dma_wait3A_804 = arith.constant 0 : i32
      %dma_wait3A_805 = tpu.memref_slice %arg9[%dma_wait3A_803, %dma_wait3A_804] : memref<10240x128xf32, #tpu.memory_space<vmem_shared>> -> memref<10240x128xf32, #tpu.memory_space<vmem_shared>>
      tpu.wait_indirect_dma semaphore(%arg11 : memref<!tpu.dma_semaphore, #tpu.memory_space<semaphore_mem>>) src(%dma_wait3A_799 : memref<128x128xf32, #tpu.memory_space<vmem>>) dst(%dma_wait3A_805 : memref<10240x128xf32, #tpu.memory_space<vmem_shared>>)
    }
    %scan3A_35 = arith.constant 5 : i32
    %barrier3A_36 = arith.constant 0 : index
    tpu.barrier barrier_id(%barrier3A_36)
    %mul3A_37 = arith.constant 640 : i32
    %mul3A_38 = arith.muli %arg1, %mul3A_37 : i32
    "tpu.region"() ({
      %run_scoped3A_39 = tpu.sem_alloc : memref<!tpu.dma_semaphore, #tpu.memory_space<semaphore_mem>>
      %dma_start3A = arith.constant 0 : i32
      %dma_start3A_40 = arith.constant 0 : i32
      %dma_start3A_41 = tpu.memref_slice %arg5[%arg0, %arg1, %dma_start3A, %dma_start3A_40] : memref<2x16x640x128xf32, #tpu.memory_space<hbm>> -> memref<1x1x640x128xf32, #tpu.memory_space<hbm>>
      %dma_start3A_42 = tpu.memref_squeeze %dma_start3A_41 : memref<1x1x640x128xf32, #tpu.memory_space<hbm>> -> memref<640x128xf32, #tpu.memory_space<hbm>>
      %dma_start3A_43 = arith.constant 0 : i32
      %dma_start3A_44 = tpu.memref_slice %arg9[%mul3A_38, %dma_start3A_43] : memref<10240x128xf32, #tpu.memory_space<vmem_shared>> -> memref<640x128xf32, #tpu.memory_space<vmem_shared>>
      tpu.enqueue_dma source(%dma_start3A_44 : memref<640x128xf32, #tpu.memory_space<vmem_shared>>) target(%dma_start3A_42 : memref<640x128xf32, #tpu.memory_space<hbm>>) target_semaphore(%run_scoped3A_39 : memref<!tpu.dma_semaphore, #tpu.memory_space<semaphore_mem>>)
      %dma_wait3A = arith.constant 0 : i32
      %dma_wait3A_45 = arith.constant 0 : i32
      %dma_wait3A_46 = tpu.memref_slice %arg5[%arg0, %arg1, %dma_wait3A, %dma_wait3A_45] : memref<2x16x640x128xf32, #tpu.memory_space<hbm>> -> memref<1x1x640x128xf32, #tpu.memory_space<hbm>>
      %dma_wait3A_47 = tpu.memref_squeeze %dma_wait3A_46 : memref<1x1x640x128xf32, #tpu.memory_space<hbm>> -> memref<640x128xf32, #tpu.memory_space<hbm>>
      %dma_wait3A_48 = arith.constant 0 : i32
      %dma_wait3A_49 = tpu.memref_slice %arg9[%mul3A_38, %dma_wait3A_48] : memref<10240x128xf32, #tpu.memory_space<vmem_shared>> -> memref<640x128xf32, #tpu.memory_space<vmem_shared>>
      tpu.wait_dma2 semaphore(%run_scoped3A_39 : memref<!tpu.dma_semaphore, #tpu.memory_space<semaphore_mem>>) src(%dma_wait3A_49 : memref<640x128xf32, #tpu.memory_space<vmem_shared>>) dst(%dma_wait3A_47 : memref<640x128xf32, #tpu.memory_space<hbm>>)
      tpu.yield
    }) : () -> ()
    return
  }
}

module attributes {stable_mosaic.version = 14 : i64} {
  func.func @body(%arg0: memref<10000x128xf32, #tpu.memory_space<vmem>>, %arg1: memref<128x128xf32, #tpu.memory_space<vmem>>, %arg2: memref<10000x128xf32, #tpu.memory_space<vmem>>) attributes {dimension_semantics = [], scalar_prefetch = 0 : i64, scratch_operands = 0 : i64, tpu.core_type = #tpu.core_type<tc>} {
    %get3A = arith.constant 0 : index
    %get3A_0 = arith.constant 0 : index
    %get3A_1 = vector.load %arg0[%get3A, %get3A_0] : memref<10000x128xf32, #tpu.memory_space<vmem>>, vector<10000x128xf32>
    %get3A_2 = arith.constant 0 : index
    %get3A_3 = arith.constant 0 : index
    %get3A_4 = vector.load %arg1[%get3A_2, %get3A_3] : memref<128x128xf32, #tpu.memory_space<vmem>>, vector<128x128xf32>
    %dot_general3A = arith.constant dense<0.000000e+00> : vector<10000x128xf32>
    %dot_general3A_5 = tpu.matmul %get3A_1, %get3A_4, %dot_general3A {dimension_numbers = #tpu.dot_dimension_numbers<[1], [0], [0], [1], [0, 0, 1, 1], [], []>, transpose_lhs_hint = false} : vector<10000x128xf32>, vector<128x128xf32>, vector<10000x128xf32> -> vector<10000x128xf32>
    %iota3A = tpu.iota {dimensions = array<i32: 1>} : vector<10000x128xi32>
    %eq3A = arith.constant 64 : i32
    %eq3A_6 = vector.broadcast %eq3A : i32 to vector<10000x128xi32>
    %eq3A_7 = arith.cmpi eq, %iota3A, %eq3A_6 : vector<10000x128xi32>
    %jit3A = arith.constant 1.000000e+00 : f32
    %jit3A_8 = arith.constant 0.000000e+00 : f32
    %broadcast_in_dim3A = vector.broadcast %jit3A : f32 to vector<10000x128xf32>
    %broadcast_in_dim3A_9 = vector.broadcast %jit3A_8 : f32 to vector<10000x128xf32>
    %select_n3A = arith.select %eq3A_7, %broadcast_in_dim3A, %broadcast_in_dim3A_9 : vector<10000x128xi1>, vector<10000x128xf32>
    %add3A = arith.addf %dot_general3A_5, %select_n3A : vector<10000x128xf32>
    %swap3A = arith.constant 0 : index
    %swap3A_10 = arith.constant 0 : index
    %swap3A_11 = vector.load %arg2[%swap3A, %swap3A_10] : memref<10000x128xf32, #tpu.memory_space<vmem>>, vector<10000x128xf32>
    tpu.vector_store %arg2[%swap3A, %swap3A_10], %add3A {strides = array<i32>} : memref<10000x128xf32, #tpu.memory_space<vmem>>, vector<10000x128xf32>,
    return
  }
}

module attributes {stable_mosaic.version = 14 : i64} {
  func.func @body(%arg0: memref<10000x128xf32, #tpu.memory_space<vmem>>, %arg1: memref<128x64xf32, #tpu.memory_space<vmem>>, %arg2: memref<2x10240x128xf32, #tpu.memory_space<vmem>>, %arg3: memref<1x128xf32, #tpu.memory_space<vmem>>, %arg4: memref<10000x128xf32, #tpu.memory_space<vmem>>) attributes {dimension_semantics = [], scalar_prefetch = 0 : i64, scratch_operands = 0 : i64, tpu.core_type = #tpu.core_type<tc>} {
    %get3A = arith.constant 0 : index
    %get3A_0 = arith.constant 0 : index
    %get3A_1 = arith.constant 0 : index
    %get3A_2 = vector.load %arg2[%get3A, %get3A_0, %get3A_1] : memref<2x10240x128xf32, #tpu.memory_space<vmem>>, vector<1x10240x128xf32>
    %get3A_3 = vector.shape_cast %get3A_2 : vector<1x10240x128xf32> to vector<10240x128xf32>
    %get3A_4 = arith.constant 1 : index
    %get3A_5 = arith.constant 0 : index
    %get3A_6 = arith.constant 0 : index
    %get3A_7 = vector.load %arg2[%get3A_4, %get3A_5, %get3A_6] : memref<2x10240x128xf32, #tpu.memory_space<vmem>>, vector<1x10240x128xf32>
    %get3A_8 = vector.shape_cast %get3A_7 : vector<1x10240x128xf32> to vector<10240x128xf32>
    %add3A = arith.addf %get3A_3, %get3A_8 : vector<10240x128xf32>
    %slice3A = vector.extract_strided_slice %add3A {offsets = [0, 0], sizes = [10000, 128], strides = [1, 1]} : vector<10240x128xf32> to vector<10000x128xf32>
    %slice3A_9 = vector.extract_strided_slice %slice3A {offsets = [0, 64], sizes = [10000, 1], strides = [1, 1]} : vector<10000x128xf32> to vector<10000x1xf32>
    %max3A = arith.constant 1.000000e+00 : f32
    %max3A_10 = vector.broadcast %max3A : f32 to vector<10000x1xf32>
    %max3A_11 = arith.maximumf %slice3A_9, %max3A_10 : vector<10000x1xf32>
    %slice3A_12 = vector.extract_strided_slice %slice3A {offsets = [0, 0], sizes = [10000, 64], strides = [1, 1]} : vector<10000x128xf32> to vector<10000x64xf32>
    %div3A = vector.broadcast %max3A_11 : vector<10000x1xf32> to vector<10000x64xf32>
    %div3A_13 = arith.divf %slice3A_12, %div3A : vector<10000x64xf32>
    %get3A_14 = arith.constant 0 : index
    %get3A_15 = arith.constant 0 : index
    %get3A_16 = vector.load %arg0[%get3A_14, %get3A_15] : memref<10000x128xf32, #tpu.memory_space<vmem>>, vector<10000x128xf32>
    %get3A_17 = arith.constant 0 : index
    %get3A_18 = arith.constant 0 : index
    %get3A_19 = vector.load %arg1[%get3A_17, %get3A_18] : memref<128x64xf32, #tpu.memory_space<vmem>>, vector<128x64xf32>
    %dot_general3A = arith.constant dense<0.000000e+00> : vector<10000x64xf32>
    %dot_general3A_20 = tpu.matmul %get3A_16, %get3A_19, %dot_general3A {dimension_numbers = #tpu.dot_dimension_numbers<[1], [0], [0], [1], [0, 0, 1, 1], [], []>, transpose_lhs_hint = false} : vector<10000x128xf32>, vector<128x64xf32>, vector<10000x64xf32> -> vector<10000x64xf32>
    %concatenate3A = tpu.concatenate %dot_general3A_20, %div3A_13 in 1 : vector<10000x64xf32>, vector<10000x64xf32> -> vector<10000x128xf32>
    %get3A_21 = arith.constant 0 : index
    %get3A_22 = arith.constant 0 : index
    %get3A_23 = vector.load %arg3[%get3A_21, %get3A_22] : memref<1x128xf32, #tpu.memory_space<vmem>>, vector<1x128xf32>
    %add3A_24 = vector.broadcast %get3A_23 : vector<1x128xf32> to vector<10000x128xf32>
    %add3A_25 = arith.addf %concatenate3A, %add3A_24 : vector<10000x128xf32>
    %max3A_26 = arith.constant 0.000000e+00 : f32
    %max3A_27 = vector.broadcast %max3A_26 : f32 to vector<10000x128xf32>
    %max3A_28 = arith.maximumf %add3A_25, %max3A_27 : vector<10000x128xf32>
    %swap3A = arith.constant 0 : index
    %swap3A_29 = arith.constant 0 : index
    %swap3A_30 = vector.load %arg4[%swap3A, %swap3A_29] : memref<10000x128xf32, #tpu.memory_space<vmem>>, vector<10000x128xf32>
    tpu.vector_store %arg4[%swap3A, %swap3A_29], %max3A_28 {strides = array<i32>} : memref<10000x128xf32, #tpu.memory_space<vmem>>, vector<10000x128xf32>,
    return
  }
}

</mosaic_0001>

<sc_bundles>
// kernel: kernel.5.cloned.1.call-start
scs
__scs_entry_jumppad:
0x0: {  	(pc) =	sbr.rel $0x88, $3  }
0x1: {  	(tag) =	ssettag $0x0;
	lr =	simm.s32 $0x1  }
0x2: {  	[smem:$0x3F9C] =	sst lr;
	_ =	strace $0xD0000000  }
0x3: {  	_ = 	snop  }
0x4: {  	_ = 	snop  }
0x5: {  	_ = 	snop  }
0x6: {  	_ = 	snop  }
0x7: {  	_ = 	snop  }
__scs_overlays_trampoline_lowered:
0x8: {  	[smem:$0x3FAB] =	sst s0  }
0x9: {  	[smem:$0x3FAC] =	sst s1  }
0xa: {  	[smem:$0x3FAD] =	sst s2  }
0xb: {  	[smem:$0x3FAE] =	sst s3  }
0xc: {  	[smem:$0x3FAF] =	sst s4  }
0xd: {  	[smem:$0x3FB0] =	sst s5  }
0xe: {  	[smem:$0x3FB1] =	sst s6  }
0xf: {  	[smem:$0x3FB2] =	sst s7  }
0x10: {  	[smem:$0x3FB3] =	sst s8  }
0x11: {  	[smem:$0x3FB4] =	sst s9;
	s0 =	simm.s32 @!p0 $0x0  }
0x12: {  	s1 =	sld [smem:$0x3F9A];
	s0 =	simm.s32 @p0 $0x1  }
0x13: {  	[smem:$0x3FB5] =	sst s0;
	s0 =	simm.s32 @!p1 $0x0  }
0x14: {  	s2 =	sld [smem:$0x3F99];
	s0 =	simm.s32 @p1 $0x1  }
0x15: {  	[smem:$0x3FB6] =	sst s0;
	s0 =	simm.s32 @!p2 $0x0  }
0x16: {  	s3 =	sld [smem:$0x3FDB];
	s0 =	simm.s32 @p2 $0x1  }
0x17: {  	s4 =	simm.s32 $0x1BF5;
	[smem:$0x3FB8] =	sst s0  }
0x18: {  	s0 =	sld [smem:$0x3F9B];
	_ =	swait.ge [sflag:s4], $0x0  }
0x19: {  	s7 =	sld [smem:$0x3F9C]  }
0x1a: {  	s8 =	sadd.s32 $0xFFFFE003, lr  }
0x1b: {  	s9 =	sadd.s32 $0xFFFFFEF7, lr;
	s5 =	simm.s32 $0xFFFFFFFF;
	p2 =	slt.u32 s8, $0xFFFFF086  }
0x1c: {  	p1 =	slt.u32 s9, $0xF7A;
	s5 =	simm.s32 @!p2 $0x0  }
0x1d: {  	s5 =	simm.s32 @p1 $0x1;
	p0 =	seq.s32 s7, s2  }
0x1e: {  	s7 =	smul.u32 @!p0 $0xF7A, s2;
	p2 =	seq.s32 @!p0 s5, $0x0  }
0x1f: {  	s9 =	smul.u32 $0xF7A, s1;
	s8 =	simm.s32 @!p0 $0x1BF5;
	p2 =	por !p2, p0  }
0x20: {  	[sflag:s8] =	ssyncset.s32 @!p0 $0xFFFFF086;
	s6 =	sadd.s32 @!p0 s3, s7;
	s7 =	simm.s32 @!p0 $0x108  }
0x21: {  	s3 =	sadd.s32 s3, s9;
	s6 =	sadd.s32 @!p0 $0x88, s6;
	s7 =	simm.s32 @p2 $0x1082  }
0x22: {  	[simem:s7], [sflag:s8] =	dma.local @!p0 [hbm:s6], $0xF7A  }
0x23: {  	s9 =	sor.u32 $0xD0000000, s2;
	s6 =	simm.s32 $0x108;
	_ =	swait.ge @!p0 [sflag:s8], $0x0  }
0x24: {  	s3 =	sadd.s32 $0x88, s3;
	s6 =	simm.s32 @!p1 $0x1082;
	[sflag:s4] =	ssyncset.s32 $0xFFFFF086  }
0x25: {  	[simem:s6], [sflag:s4] =	dma.local [hbm:s3], $0xF7A  }
0x26: {  	[smem:$0x3F9C] =	sst s1;
	(tag) =	ssettag s2;
	_ =	strace s9  }
0x27: {  	s1 =	sld [smem:$0x3FAC]  }
0x28: {  	s2 =	sld [smem:$0x3FAD]  }
0x29: {  	s4 =	sld [smem:$0x3FAF]  }
0x2a: {  	p0 =	seq.s32 s5, $0x0;
	s5 =	sld [smem:$0x3FB0]  }
0x2b: {  	s6 =	sld [smem:$0x3FB1]  }
0x2c: {  	s7 =	sld [smem:$0x3FB2]  }
0x2d: {  	s3 =	simm.s32 $0x108;
	s8 =	sld [smem:$0x3FB3]  }
0x2e: {  	s3 =	simm.s32 @!p0 $0x1082;
	s9 =	sld [smem:$0x3FB4]  }
0x2f: {  	lr =	sadd.s32 s0, s3;
	s0 =	sld [smem:$0x3FAB]  }
0x30: {  	s3 =	sld [smem:$0x3FAE]  }
0x31: {  	[smem:$0x3FB7] =	sst s10  }
0x32: {  	s10 =	sld [smem:$0x3FB5];
	_ =	sdelay $0x3  }
0x33: {  	p0 =	seq.s32 s10, $0x1;
	s10 =	sld [smem:$0x3FB7];
	_ =	sdelay $0x3  }
0x34: {  	[smem:$0x3FB7] =	sst s10  }
0x35: {  	s10 =	sld [smem:$0x3FB6];
	_ =	sdelay $0x3  }
0x36: {  	p1 =	seq.s32 s10, $0x1;
	s10 =	sld [smem:$0x3FB7];
	_ =	sdelay $0x3  }
0x37: {  	[smem:$0x3FB7] =	sst s10  }
0x38: {  	s10 =	sld [smem:$0x3FB8]  }
0x39: {  	_ = 	snop;
	(pc) =	sbr.ind lr, $3  }
0x3a: {  	_ = 	snop  }
0x3b: {  	_ = 	snop  }
0x3c: {  	p2 =	seq.s32 s10, $0x1;
	s10 =	sld [smem:$0x3FB7]  }
0x3d: {  	_ =	shalt  }
0x3e: {  	_ =	shalt  }
0x3f: {  	_ =	shalt  }
0x40: {  	_ =	shalt  }
0x41: {  	_ =	shalt  }
0x42: {  	_ =	shalt  }
0x43: {  	_ =	shalt  }
0x44: {  	_ =	shalt  }
0x45: {  	_ =	shalt  }
0x46: {  	_ =	shalt  }
0x47: {  	_ =	shalt  }
0x48: {  	_ =	shalt  }
0x49: {  	_ =	shalt  }
0x4a: {  	_ =	shalt  }
0x4b: {  	_ =	shalt  }
0x4c: {  	_ =	shalt  }
0x4d: {  	_ =	shalt  }
0x4e: {  	_ =	shalt  }
0x4f: {  	_ =	shalt  }
0x50: {  	_ =	shalt  }
0x51: {  	_ =	shalt  }
0x52: {  	_ =	shalt  }
0x53: {  	_ =	shalt  }
0x54: {  	_ =	shalt  }
0x55: {  	_ =	shalt  }
0x56: {  	_ =	shalt  }
0x57: {  	_ =	shalt  }
0x58: {  	_ =	shalt  }
0x59: {  	_ =	shalt  }
0x5a: {  	_ =	shalt  }
0x5b: {  	_ =	shalt  }
0x5c: {  	_ =	shalt  }
0x5d: {  	_ =	shalt  }
0x5e: {  	_ =	shalt  }
0x5f: {  	_ =	shalt  }
0x60: {  	_ =	shalt  }
0x61: {  	_ =	shalt  }
0x62: {  	_ =	shalt  }
0x63: {  	_ =	shalt  }
0x64: {  	_ =	shalt  }
0x65: {  	_ =	shalt  }
0x66: {  	_ =	shalt  }
0x67: {  	_ =	shalt  }
0x68: {  	_ =	shalt  }
0x69: {  	_ =	shalt  }
0x6a: {  	_ =	shalt  }
0x6b: {  	_ =	shalt  }
0x6c: {  	_ =	shalt  }
0x6d: {  	_ =	shalt  }
0x6e: {  	_ =	shalt  }
0x6f: {  	_ =	shalt  }
0x70: {  	_ =	shalt  }
0x71: {  	_ =	shalt  }
0x72: {  	_ =	shalt  }
0x73: {  	_ =	shalt  }
0x74: {  	_ =	shalt  }
0x75: {  	_ =	shalt  }
0x76: {  	_ =	shalt  }
0x77: {  	_ =	shalt  }
0x78: {  	_ =	shalt  }
0x79: {  	_ =	shalt  }
0x7a: {  	_ =	shalt  }
0x7b: {  	_ =	shalt  }
0x7c: {  	_ =	shalt  }
0x7d: {  	_ =	shalt  }
0x7e: {  	_ =	shalt  }
0x7f: {  	_ =	shalt  }
0x80: {  	_ =	shalt  }
0x81: {  	_ =	shalt  }
0x82: {  	_ =	shalt  }
0x83: {  	_ =	shalt  }
0x84: {  	_ =	shalt  }
0x85: {  	_ =	shalt  }
0x86: {  	_ =	shalt  }
0x87: {  	_ =	shalt  }
.Lfunc_end0:
.L_simem_size_0:
called_computation_lowered:
.L_overlay_start_0:
0x88: {  	s2 =	sld [smem:$0x3FD9]  }
0x89: {  	s3 =	sld [smem:$0x3FFE];
	_ =	sdelay $0x1  }
0x8a: {  	s1 =	srdreg.scid  }
0x8b: {  	s0 =	sand.u32 $0x1, s1  }
0x8c: {  	s17 =	sshll.u32 s0, $0xA;
	s2 =	sadd.s32 s3, s2  }
0x8d: {  	s2 =	sadd.s32 s2, s17  }
0x8e: {  	[smem:$0x3FC3] =	sst s2  }
0x8f: {  	_ = 	snop  }
0x90: {  	s2 =	sld [smem:$0x3FD0];
	(tm) =	ssettm $0x1  }
0x91: {  	s18 =	sld [smem:$0x3FFB];
	_ =	sdelay $0x3  }
0x92: {  	_ =	strace s18  }
0x93: {  	s3 =	sld [smem:$0x3FFC];
	_ =	sdelay $0x3  }
0x94: {  	_ =	strace s3  }
0x95: {  	s3 =	sld [smem:$0x3FFD];
	_ =	sdelay $0x3  }
0x96: {  	_ =	strace s3  }
0x97: {  	_ =	strace $0x8FFFFFFF  }
0x98: {  	s19 =	sld [smem:$0x3FDB];
	_ =	sdelay $0x1  }
0x99: {  	s4 =	simm.s32 $_scs_section_size  }
0x9a: {  	s5 =	simm.s32 $_size__tile_overlayer_lowered;
	s6 =	simm.s32 $_tile_overlayer_lowered  }
0x9b: {  	s22 =	simm.s32 $0x1BFF;
	s21 =	sshll.u32 s6, $0x1;
	s3 =	sadd.s32 s4, s19  }
0x9c: {  	s7 =	simm.s32 $0x0;
	s20 =	sshll.u32 s5, $0x1;
	s5 =	sadd.s32 s21, s3  }
0x9d: {  	[timem:s7], [sflag:s22] =	dma.local [hbm:s5], s20  }
0x9e: {  	_ =	swait.ge [sflag:s22], s20  }
0x9f: {  	s4 =	ssub.s32 $0x0, s20;
	[sflag:s22] =	ssyncset.done $0x0  }
0xa0: {  	[sflag:s22] =	ssyncadd.s32 s4;
	_ =	sdelay $0x1  }
0xa1: {  	s23 =	simm.s32 $0x1B8B  }
0xa2: {  	_ =	swait.ge [sflag:s23], $0x1  }
0xa3: {  	[sflag:s23] =	ssyncset.done $0x0  }
0xa4: {  	s25 =	simm.s32 $0x1B8E;
	s24 =	sld [smem:$0x3FFE];
	[sflag:s23] =	ssyncadd.s32 $0xFFFFFFFF  }
0xa5: {  	s26 =	simm.s32 $execute0_lowered;
	[smem:$0x3FD2] =	sst s25  }
0xa6: {  	s5 =	sshll.u32 s26, $0x1;
	_ =	strace $0x80000046;
	[dreg:$0x1] =	wrdreg $0xFFFFFFFF  }
0xa7: {  	s28 =	simm.s32 $_size_execute0_lowered;
	s3 =	sadd.s32 s3, s5;
	[dreg:$0x0] =	wrdreg $0x0  }
0xa8: {  	s5 =	sshll.u32 s28, $0x1;
	[dreg:$0x2] =	wrdreg s3  }
0xa9: {  	[dreg:$0x3] =	wrdreg s5  }
0xaa: {  	[dreg:$0x4] =	wrdreg $0xC0  }
0xab: {  	_ =	task [dreg:s7], $0x5FFFF  }
0xac: {  	[dreg:$0x1] =	wrdreg $0xFFFFFFFF  }
0xad: {  	[dreg:$0x0] =	wrdreg $0x60  }
0xae: {  	[dreg:$0x2] =	wrdreg s2  }
0xaf: {  	[dreg:$0x3] =	wrdreg s24  }
0xb0: {  	[dreg:$0x4] =	wrdreg $0x90000  }
0xb1: {  	[dreg:$0x5] =	wrdreg $0x9  }
0xb2: {  	_ =	task.clear_ibuf [dreg:s7], $0x6FFFF;
	_ =	strace $0x90000046  }
0xb3: {  	s29 =	simm.s32 $0x9;
	_ =	strace $0x80000048  }
0xb4: {  	_ =	swait.ge [sflag:s29], $0x1  }
0xb5: {  	[sflag:s29] =	ssyncadd.s32 $0xFFFFFFFF  }
0xb6: {  	_ =	strace $0x90000048  }
0xb7: {  	_ =	sfence  }
0xb8: {  	s30 =	sld [smem:$0x0];
	_ =	sdelay $0x2  }
0xb9: {  	s31 =	sshll.u32 s1, $0xD;
	s1 =	sshrl.u32 s1, $0x2  }
0xba: {  	s3 =	sand.u32 $0x4000, s31;
	s1 =	sadd.s32 s1, s30  }
0xbb: {  	s0 =	sor.u32 s3, s0;
	s1 =	sshll.u32 s1, $0x11  }
0xbc: {  	s0 =	sor.u32 s1, s0  }
0xbd: {  	s0 =	sadd.s32 $0x8F2B, s0  }
0xbe: {  	[sflag:s0] =	ssyncadd.remote.s32 $0x1  }
0xbf: {  	_ =	sfence.sel $0xFFFF  }
0xc0: {  	[dreg:$0x0] =	wrdreg $0xFFFFFFFF;
	(pc) =	sbr.abs _section_cstart, $3  }
0xc1: {  	[dreg:$0x1] =	wrdreg $0xFFFFFFFF  }
0xc2: {  	_ =	task.clear_ibuf [dreg:s7], $0x2FFFF;
	_ =	strace $0x9FFFFFFF  }
0xc3: {  	(tm) =	ssettm $0x7FFFFFFF  }
tec
execute0_lowered:
.L_overlay_start_1:
0x0: {  	(tag) =	ssettag $0x1  }
0x1: {  	s1 =	rddreg [dreg:$0x0]  }
0x2: {  	s0 =	srdreg.scid;
	s2 =	rddreg [dreg:$0x1]  }
0x3: {  	s9 =	stileid.u32;
	s3 =	rddreg [dreg:$0x2];
	s4 =	simm.s32 $0x0  }
0x4: {  	s11 =	simm.s32 $0x100;
	s13 =	simm.s32 $0x880;
	s15 =	simm.s32 $0x180  }
0x5: {  	s16 =	simm.s32 $0x900;
	s18 =	simm.s32 $0x200;
	[smem:$0x7FF] =	sst s4  }
0x6: {  	s19 =	simm.s32 $0x980;
	_ =	strace $0x80000047;
	[dreg:$0x5] =	wrdreg s11  }
0x7: {  	s20 =	simm.s32 $0x280;
	s21 =	simm.s32 $0xA00;
	[dreg:$0x6] =	wrdreg s13  }
0x8: {  	s22 =	simm.s32 $0x300;
	s23 =	simm.s32 $0xA80;
	[dreg:$0x7] =	wrdreg s15  }
0x9: {  	s24 =	simm.s32 $0x380;
	s28 =	simm.s32 $0x600;
	[dreg:$0x8] =	wrdreg s16  }
0xa: {  	s29 =	simm.s32 $0xD80;
	s6 =	smul.u32 $0x14000, s9;
	[dreg:$0x9] =	wrdreg s18  }
0xb: {  	s30 =	simm.s32 $0x680;
	s7 =	smul.u32 $0x5000, s9;
	[dreg:$0xa] =	wrdreg s19  }
0xc: {  	s0 =	sand.u32 $0x1, s0;
	s25 =	smul.u32 $0x50000, s9;
	[dreg:$0xb] =	wrdreg s20  }
0xd: {  	s31 =	simm.s32 $0xE00;
	s5 =	smul.u32 $0x140000, s0;
	[dreg:$0xc] =	wrdreg s21  }
0xe: {  	s8 =	smul.u32 $0x2800, s0;
	s0 =	ssub.s32 $0x2, s0;
	[dreg:$0xd] =	wrdreg s22  }
0xf: {  	s13 =	simm.s32 $0x1000;
	s15 =	simm.s32 $0x800;
	[dreg:$0xe] =	wrdreg s23  }
0x10: {  	s16 =	simm.s32 $0x80;
	s18 =	simm.s32 $0x1;
	[dreg:$0xf] =	wrdreg s24  }
0x11: {  	s19 =	simm.s32 $0x2;
	s20 =	simm.s32 $0xB80;
	s21 =	simm.s32 $0x480  }
0x12: {  	s22 =	simm.s32 $0xC00;
	s23 =	simm.s32 $0x500;
	s24 =	simm.s32 $0xC80  }
0x13: {  	s9 =	sshrl.u32 s0, $0x1;
	s5 =	sadd.s32 s6, s5;
	s7 =	sadd.s32 s8, s7  }
0x14: {  	s6 =	sshrl.u32 s25, $0x2;
	s0 =	ssub.s32 s0, s9;
	s25 =	simm.s32 $0xB00  }
0x15: {  	s8 =	simm.s32 $0xF00;
	s9 =	simm.s32 $0xF80;
	s5 =	sshrl.u32 s5, $0x3  }
0x16: {  	s7 =	sshrl.u32 s7, $0x3;
	s6 =	sadd.s32 s6, s3;
	[dreg:$0x10] =	wrdreg s25  }
0x17: {  	s0 =	smax.u32 s0, $0x1;
	s25 =	simm.s32 $0x580;
	[dreg:$0x12] =	wrdreg s6  }
0x18: {  	s26 =	sadd.s32 s5, s2;
	s10 =	sadd.s32 $0x4000, s6;
	[dreg:$0x18] =	wrdreg s0  }
0x19: {  	s5 =	sadd.s32 s7, s2;
	s12 =	sadd.s32 $0x8000, s6;
	[dreg:$0x13] =	wrdreg s10  }
0x1a: {  	s14 =	sadd.s32 $0xC000, s6;
	s6 =	sadd.s32 $0x10000, s6;
	[dreg:$0x14] =	wrdreg s12  }
0x1b: {  	s0 =	simm.s32 $0xE80;
	s7 =	simm.s32 $0x780;
	[dreg:$0x15] =	wrdreg s14  }
0x1c: {  	s2 =	sadd.s32 $0xA000, s5;
	[dreg:$0x16] =	wrdreg s6;
	s17 =	sadd.s32 $0x14000, s26  }
0x1d: {  	s14 =	simm.s32 $0x3;
	s26 =	simm.s32 $0x400;
	[dreg:$0x4] =	wrdreg s2  }
0x1e: {  	s10 =	simm.s32 $0x0;
	[dreg:$0x17] =	wrdreg s17;
	s17 =	simm.s32 $0x5000  }
0x1f: {  	v0 =	vimm.f32 $0.0e+00;
	[dreg:$0x11] =	wrdreg s26;
	s26 =	simm.s32 $0xD00;
	s2 =	simm.s32 $0x700  }
.LBB2_1:
0x20: {  	s11 =	simm.s32 $0x0;
	s12 =	simm.s32 $0x200  }
.LBB2_2:
0x21: {  	p0 =	sne.s32 s12, $0xFE00;
	[tilespmem:s11+$0x1070] =	vst v0  }
0x22: {  	[tilespmem:s11+$0x1000] =	vst v0  }
0x23: {  	[tilespmem:s11+$0x1010] =	vst v0  }
.Ltmp0:
0x24: {  	[tilespmem:s11+$0x1020] =	vst v0;
	(pc) =	sbr.rel @p0 .LBB2_2-.Ltmp0, $4  }
0x25: {  	[tilespmem:s11+$0x1030] =	vst v0  }
0x26: {  	[tilespmem:s11+$0x1040] =	vst v0  }
0x27: {  	[tilespmem:s11+$0x1050] =	vst v0  }
0x28: {  	[tilespmem:s11+$0x1060] =	vst v0;
	s11 =	sshra.s32 s12, $0x2;
	s12 =	sadd.s32 $0x200, s12  }
0x29: {  	[tilespmem:s11+$0x1070] =	vst v0  }
0x2a: {  	[tilespmem:s11+$0x1000] =	vst v0  }
0x2b: {  	[tilespmem:s11+$0x1010] =	vst v0  }
0x2c: {  	[tilespmem:s11+$0x1020] =	vst v0  }
0x2d: {  	[tilespmem:s11+$0x1030] =	vst v0  }
0x2e: {  	[tilespmem:s11+$0x1040] =	vst v0  }
0x2f: {  	[dreg:$0x19] =	wrdreg s10;
	[tilespmem:s11+$0x1050] =	vst v0  }
0x30: {  	[tilespmem:s11+$0x1060] =	vst v0;
	s6 =	rddreg [dreg:$0x12]  }
0x31: {  	[spmem:s6] =	stream.linear.scatter [tilespmem:s13], [sflag:$0x3], $0x4000, $0x38;
	[tilespmem:$0x1D000] =	vst v63  }
0x32: {  	_ =	swait.ge [sflag:s14], $0x4000  }
0x33: {  	[sflag:s14] =	ssyncset.done $0x0  }
0x34: {  	s12 =	rddreg [dreg:$0x13];
	[sflag:s14] =	ssyncadd.s32 $0xFFFFC000  }
0x35: {  	[spmem:s12] =	stream.linear.scatter [tilespmem:s13], [sflag:$0x3], $0x4000, $0x38;
	[tilespmem:$0x1D000] =	vst v63  }
0x36: {  	_ =	swait.ge [sflag:s14], $0x4000  }
0x37: {  	[sflag:s14] =	ssyncset.done $0x0  }
0x38: {  	s10 =	rddreg [dreg:$0x14];
	[sflag:s14] =	ssyncadd.s32 $0xFFFFC000  }
0x39: {  	[spmem:s10] =	stream.linear.scatter [tilespmem:s13], [sflag:$0x3], $0x4000, $0x38;
	[tilespmem:$0x1D000] =	vst v63  }
0x3a: {  	_ =	swait.ge [sflag:s14], $0x4000  }
0x3b: {  	[sflag:s14] =	ssyncset.done $0x0  }
0x3c: {  	s11 =	rddreg [dreg:$0x15];
	[sflag:s14] =	ssyncadd.s32 $0xFFFFC000  }
0x3d: {  	[spmem:s11] =	stream.linear.scatter [tilespmem:s13], [sflag:$0x3], $0x4000, $0x38;
	[tilespmem:$0x1D000] =	vst v63  }
0x3e: {  	_ =	swait.ge [sflag:s14], $0x4000  }
0x3f: {  	[sflag:s14] =	ssyncset.done $0x0  }
0x40: {  	s12 =	rddreg [dreg:$0x16];
	[sflag:s14] =	ssyncadd.s32 $0xFFFFC000  }
0x41: {  	[spmem:s12] =	stream.linear.scatter [tilespmem:s13], [sflag:$0x3], $0x4000, $0x38;
	[tilespmem:$0x1D000] =	vst v63  }
0x42: {  	_ =	swait.ge [sflag:s14], $0x4000  }
0x43: {  	[sflag:s14] =	ssyncset.done $0x0  }
0x44: {  	[sflag:s14] =	ssyncadd.s32 $0xFFFFC000  }
0x45: {  	[bflag:$0x0] =	sbarrier.arrive $0xFFFF  }
0x46: {  	s10 =	rddreg [dreg:$0x4]  }
0x47: {  	s6 =	sadd.s32 $0x0, s10  }
0x48: {  	[tilespmem:s4], [sflag:$0x3] =	stream.linear.gather [hbm4b:s6+s4], $0x800, $0x38;
	[tilespmem:$0x1D000] =	vst v63  }
0x49: {  	_ =	swait.ge [sflag:s14], $0x800  }
0x4a: {  	[sflag:s14] =	ssyncset.done $0x0  }
0x4b: {  	s11 =	sadd.s32 $0x0, s5;
	[sflag:s14] =	ssyncadd.s32 $0xFFFFF800  }
0x4c: {  	[tilespmem:s15], [sflag:$0x3] =	stream.linear.gather [hbm4b:s11+s4], $0x800, $0x38;
	[tilespmem:$0x1D000] =	vst v63  }
0x4d: {  	_ =	swait.ge [sflag:s14], $0x800  }
0x4e: {  	[sflag:s14] =	ssyncset.done $0x0  }
0x4f: {  	[sflag:s14] =	ssyncadd.s32 $0xFFFFF800  }
0x50: {  	[tilespmem:s13], [sflag:$0x1] =	stream.indirect.gather [hbm4b:s1+s16], $0x80, s4, s16, $0xb8;
	[tilespmem:$0x1D000] =	vst v63  }
0x51: {  	_ = 	snop  }
0x52: {  	[tilespmem:s17], [sflag:$0x1] =	stream.indirect.gather [hbm4b:s1+s16], $0x80, s16, s16, $0xb8;
	[tilespmem:$0x1D000] =	vst v63  }
0x53: {  	_ =	swait.ge [sflag:s18], $0x4000  }
0x54: {  	[sflag:s18] =	ssyncset.done $0x0  }
0x55: {  	[sflag:s18] =	ssyncadd.s32 $0xFFFFC000  }
0x56: {  	[spmem:s3] =	stream.indirect.scatter.add.f32 [tilespmem:s13], [sflag:$0x2], $0x80, s15, s16, $0xb8;
	[tilespmem:$0x1D000] =	vst v63  }
0x57: {  	_ =	swait.ge [sflag:s19], $0x4000  }
0x58: {  	[sflag:s19] =	ssyncset.done $0x0  }
0x59: {  	s12 =	rddreg [dreg:$0x5];
	[sflag:s19] =	ssyncadd.s32 $0xFFFFC000  }
0x5a: {  	[tilespmem:s13], [sflag:$0x1] =	stream.indirect.gather [hbm4b:s1+s16], $0x80, s12, s16, $0xb8;
	[tilespmem:$0x1D000] =	vst v63  }
0x5b: {  	_ =	swait.ge [sflag:s18], $0x4000  }
0x5c: {  	[sflag:s18] =	ssyncset.done $0x0  }
0x5d: {  	s10 =	rddreg [dreg:$0x6];
	[sflag:s18] =	ssyncadd.s32 $0xFFFFC000  }
0x5e: {  	[spmem:s3] =	stream.indirect.scatter.add.f32 [tilespmem:s17], [sflag:$0x2], $0x80, s10, s16, $0xb8;
	[tilespmem:$0x1D000] =	vst v63  }
0x5f: {  	_ =	swait.ge [sflag:s19], $0x4000  }
0x60: {  	[sflag:s19] =	ssyncset.done $0x0  }
0x61: {  	s11 =	rddreg [dreg:$0x7];
	[sflag:s19] =	ssyncadd.s32 $0xFFFFC000  }
0x62: {  	[tilespmem:s17], [sflag:$0x1] =	stream.indirect.gather [hbm4b:s1+s16], $0x80, s11, s16, $0xb8;
	[tilespmem:$0x1D000] =	vst v63  }
0x63: {  	_ =	swait.ge [sflag:s18], $0x4000  }
0x64: {  	[sflag:s18] =	ssyncset.done $0x0  }
0x65: {  	s12 =	rddreg [dreg:$0x8];
	[sflag:s18] =	ssyncadd.s32 $0xFFFFC000  }
0x66: {  	[spmem:s3] =	stream.indirect.scatter.add.f32 [tilespmem:s13], [sflag:$0x2], $0x80, s12, s16, $0xb8;
	[tilespmem:$0x1D000] =	vst v63  }
0x67: {  	_ =	swait.ge [sflag:s19], $0x4000  }
0x68: {  	[sflag:s19] =	ssyncset.done $0x0  }
0x69: {  	s10 =	rddreg [dreg:$0x9];
	[sflag:s19] =	ssyncadd.s32 $0xFFFFC000  }
0x6a: {  	[tilespmem:s13], [sflag:$0x1] =	stream.indirect.gather [hbm4b:s1+s16], $0x80, s10, s16, $0xb8;
	[tilespmem:$0x1D000] =	vst v63  }
0x6b: {  	_ =	swait.ge [sflag:s18], $0x4000  }
0x6c: {  	[sflag:s18] =	ssyncset.done $0x0  }
0x6d: {  	s11 =	rddreg [dreg:$0xa];
	[sflag:s18] =	ssyncadd.s32 $0xFFFFC000  }
0x6e: {  	[spmem:s3] =	stream.indirect.scatter.add.f32 [tilespmem:s17], [sflag:$0x2], $0x80, s11, s16, $0xb8;
	[tilespmem:$0x1D000] =	vst v63  }
0x6f: {  	_ =	swait.ge [sflag:s19], $0x4000  }
0x70: {  	[sflag:s19] =	ssyncset.done $0x0  }
0x71: {  	s12 =	rddreg [dreg:$0xb];
	[sflag:s19] =	ssyncadd.s32 $0xFFFFC000  }
0x72: {  	[tilespmem:s17], [sflag:$0x1] =	stream.indirect.gather [hbm4b:s1+s16], $0x80, s12, s16, $0xb8;
	[tilespmem:$0x1D000] =	vst v63  }
0x73: {  	_ =	swait.ge [sflag:s18], $0x4000  }
0x74: {  	[sflag:s18] =	ssyncset.done $0x0  }
0x75: {  	s10 =	rddreg [dreg:$0xc];
	[sflag:s18] =	ssyncadd.s32 $0xFFFFC000  }
0x76: {  	[spmem:s3] =	stream.indirect.scatter.add.f32 [tilespmem:s13], [sflag:$0x2], $0x80, s10, s16, $0xb8;
	[tilespmem:$0x1D000] =	vst v63  }
0x77: {  	_ =	swait.ge [sflag:s19], $0x4000  }
0x78: {  	[sflag:s19] =	ssyncset.done $0x0  }
0x79: {  	s11 =	rddreg [dreg:$0xd];
	[sflag:s19] =	ssyncadd.s32 $0xFFFFC000  }
0x7a: {  	[tilespmem:s13], [sflag:$0x1] =	stream.indirect.gather [hbm4b:s1+s16], $0x80, s11, s16, $0xb8;
	[tilespmem:$0x1D000] =	vst v63  }
0x7b: {  	_ =	swait.ge [sflag:s18], $0x4000  }
0x7c: {  	[sflag:s18] =	ssyncset.done $0x0  }
0x7d: {  	s12 =	rddreg [dreg:$0xe];
	[sflag:s18] =	ssyncadd.s32 $0xFFFFC000  }
0x7e: {  	[spmem:s3] =	stream.indirect.scatter.add.f32 [tilespmem:s17], [sflag:$0x2], $0x80, s12, s16, $0xb8;
	[tilespmem:$0x1D000] =	vst v63  }
0x7f: {  	_ =	swait.ge [sflag:s19], $0x4000  }
0x80: {  	[sflag:s19] =	ssyncset.done $0x0  }
0x81: {  	s10 =	rddreg [dreg:$0xf];
	[sflag:s19] =	ssyncadd.s32 $0xFFFFC000  }
0x82: {  	[tilespmem:s17], [sflag:$0x1] =	stream.indirect.gather [hbm4b:s1+s16], $0x80, s10, s16, $0xb8;
	[tilespmem:$0x1D000] =	vst v63  }
0x83: {  	_ =	swait.ge [sflag:s18], $0x4000  }
0x84: {  	[sflag:s18] =	ssyncset.done $0x0  }
0x85: {  	s11 =	rddreg [dreg:$0x10];
	[sflag:s18] =	ssyncadd.s32 $0xFFFFC000  }
0x86: {  	[spmem:s3] =	stream.indirect.scatter.add.f32 [tilespmem:s13], [sflag:$0x2], $0x80, s11, s16, $0xb8;
	[tilespmem:$0x1D000] =	vst v63  }
0x87: {  	_ =	swait.ge [sflag:s19], $0x4000  }
0x88: {  	[sflag:s19] =	ssyncset.done $0x0  }
0x89: {  	s12 =	rddreg [dreg:$0x11];
	[sflag:s19] =	ssyncadd.s32 $0xFFFFC000  }
0x8a: {  	[tilespmem:s13], [sflag:$0x1] =	stream.indirect.gather [hbm4b:s1+s16], $0x80, s12, s16, $0xb8;
	[tilespmem:$0x1D000] =	vst v63  }
0x8b: {  	_ =	swait.ge [sflag:s18], $0x4000  }
0x8c: {  	[sflag:s18] =	ssyncset.done $0x0  }
0x8d: {  	[sflag:s18] =	ssyncadd.s32 $0xFFFFC000  }
0x8e: {  	[spmem:s3] =	stream.indirect.scatter.add.f32 [tilespmem:s17], [sflag:$0x2], $0x80, s20, s16, $0xb8;
	[tilespmem:$0x1D000] =	vst v63  }
0x8f: {  	_ =	swait.ge [sflag:s19], $0x4000  }
0x90: {  	[sflag:s19] =	ssyncset.done $0x0  }
0x91: {  	[sflag:s19] =	ssyncadd.s32 $0xFFFFC000  }
0x92: {  	[tilespmem:s17], [sflag:$0x1] =	stream.indirect.gather [hbm4b:s1+s16], $0x80, s21, s16, $0xb8;
	[tilespmem:$0x1D000] =	vst v63  }
0x93: {  	_ =	swait.ge [sflag:s18], $0x4000  }
0x94: {  	[sflag:s18] =	ssyncset.done $0x0  }
0x95: {  	[sflag:s18] =	ssyncadd.s32 $0xFFFFC000  }
0x96: {  	[spmem:s3] =	stream.indirect.scatter.add.f32 [tilespmem:s13], [sflag:$0x2], $0x80, s22, s16, $0xb8;
	[tilespmem:$0x1D000] =	vst v63  }
0x97: {  	_ =	swait.ge [sflag:s19], $0x4000  }
0x98: {  	[sflag:s19] =	ssyncset.done $0x0  }
0x99: {  	[sflag:s19] =	ssyncadd.s32 $0xFFFFC000  }
0x9a: {  	[tilespmem:s13], [sflag:$0x1] =	stream.indirect.gather [hbm4b:s1+s16], $0x80, s23, s16, $0xb8;
	[tilespmem:$0x1D000] =	vst v63  }
0x9b: {  	_ =	swait.ge [sflag:s18], $0x4000  }
0x9c: {  	[sflag:s18] =	ssyncset.done $0x0  }
0x9d: {  	[sflag:s18] =	ssyncadd.s32 $0xFFFFC000  }
0x9e: {  	[spmem:s3] =	stream.indirect.scatter.add.f32 [tilespmem:s17], [sflag:$0x2], $0x80, s24, s16, $0xb8;
	[tilespmem:$0x1D000] =	vst v63  }
0x9f: {  	_ =	swait.ge [sflag:s19], $0x4000  }
0xa0: {  	[sflag:s19] =	ssyncset.done $0x0  }
0xa1: {  	[sflag:s19] =	ssyncadd.s32 $0xFFFFC000  }
0xa2: {  	[tilespmem:s17], [sflag:$0x1] =	stream.indirect.gather [hbm4b:s1+s16], $0x80, s25, s16, $0xb8;
	[tilespmem:$0x1D000] =	vst v63  }
0xa3: {  	_ =	swait.ge [sflag:s18], $0x4000  }
0xa4: {  	[sflag:s18] =	ssyncset.done $0x0  }
0xa5: {  	[sflag:s18] =	ssyncadd.s32 $0xFFFFC000  }
0xa6: {  	[spmem:s3] =	stream.indirect.scatter.add.f32 [tilespmem:s13], [sflag:$0x2], $0x80, s26, s16, $0xb8;
	[tilespmem:$0x1D000] =	vst v63  }
0xa7: {  	_ =	swait.ge [sflag:s19], $0x4000  }
0xa8: {  	[sflag:s19] =	ssyncset.done $0x0  }
0xa9: {  	[sflag:s19] =	ssyncadd.s32 $0xFFFFC000  }
0xaa: {  	[tilespmem:s13], [sflag:$0x1] =	stream.indirect.gather [hbm4b:s1+s16], $0x80, s28, s16, $0xb8;
	[tilespmem:$0x1D000] =	vst v63  }
0xab: {  	_ =	swait.ge [sflag:s18], $0x4000  }
0xac: {  	[sflag:s18] =	ssyncset.done $0x0  }
0xad: {  	[sflag:s18] =	ssyncadd.s32 $0xFFFFC000  }
0xae: {  	[spmem:s3] =	stream.indirect.scatter.add.f32 [tilespmem:s17], [sflag:$0x2], $0x80, s29, s16, $0xb8;
	[tilespmem:$0x1D000] =	vst v63  }
0xaf: {  	_ =	swait.ge [sflag:s19], $0x4000  }
0xb0: {  	[sflag:s19] =	ssyncset.done $0x0  }
0xb1: {  	[sflag:s19] =	ssyncadd.s32 $0xFFFFC000  }
0xb2: {  	[tilespmem:s17], [sflag:$0x1] =	stream.indirect.gather [hbm4b:s1+s16], $0x80, s30, s16, $0xb8;
	[tilespmem:$0x1D000] =	vst v63  }
0xb3: {  	_ =	swait.ge [sflag:s18], $0x4000  }
0xb4: {  	[sflag:s18] =	ssyncset.done $0x0  }
0xb5: {  	[sflag:s18] =	ssyncadd.s32 $0xFFFFC000  }
0xb6: {  	[spmem:s3] =	stream.indirect.scatter.add.f32 [tilespmem:s13], [sflag:$0x2], $0x80, s31, s16, $0xb8;
	[tilespmem:$0x1D000] =	vst v63  }
0xb7: {  	_ =	swait.ge [sflag:s19], $0x4000  }
0xb8: {  	[sflag:s19] =	ssyncset.done $0x0  }
0xb9: {  	[sflag:s19] =	ssyncadd.s32 $0xFFFFC000  }
0xba: {  	[tilespmem:s13], [sflag:$0x1] =	stream.indirect.gather [hbm4b:s1+s16], $0x80, s2, s16, $0xb8;
	[tilespmem:$0x1D000] =	vst v63  }
0xbb: {  	_ =	swait.ge [sflag:s18], $0x4000  }
0xbc: {  	[sflag:s18] =	ssyncset.done $0x0  }
0xbd: {  	[sflag:s18] =	ssyncadd.s32 $0xFFFFC000  }
0xbe: {  	[spmem:s3] =	stream.indirect.scatter.add.f32 [tilespmem:s17], [sflag:$0x2], $0x80, s0, s16, $0xb8;
	[tilespmem:$0x1D000] =	vst v63  }
0xbf: {  	_ =	swait.ge [sflag:s19], $0x4000  }
0xc0: {  	[sflag:s19] =	ssyncset.done $0x0  }
0xc1: {  	[sflag:s19] =	ssyncadd.s32 $0xFFFFC000  }
0xc2: {  	[tilespmem:s17], [sflag:$0x1] =	stream.indirect.gather [hbm4b:s1+s16], $0x80, s7, s16, $0xb8;
	[tilespmem:$0x1D000] =	vst v63  }
0xc3: {  	_ =	swait.ge [sflag:s18], $0x4000  }
0xc4: {  	[sflag:s18] =	ssyncset.done $0x0  }
0xc5: {  	[sflag:s18] =	ssyncadd.s32 $0xFFFFC000  }
0xc6: {  	[spmem:s3] =	stream.indirect.scatter.add.f32 [tilespmem:s13], [sflag:$0x2], $0x80, s8, s16, $0xb8;
	[tilespmem:$0x1D000] =	vst v63  }
0xc7: {  	_ =	swait.ge [sflag:s19], $0x4000  }
0xc8: {  	[sflag:s19] =	ssyncset.done $0x0  }
0xc9: {  	[sflag:s19] =	ssyncadd.s32 $0xFFFFC000  }
0xca: {  	_ =	swait.ge [sflag:s18], $0x4000  }
0xcb: {  	[sflag:s18] =	ssyncset.done $0x0  }
0xcc: {  	[sflag:s18] =	ssyncadd.s32 $0xFFFFC000  }
0xcd: {  	[spmem:s3] =	stream.indirect.scatter.add.f32 [tilespmem:s17], [sflag:$0x2], $0x80, s9, s16, $0xb8;
	[tilespmem:$0x1D000] =	vst v63  }
0xce: {  	s11 =	simm.s32 $0x100;
	_ =	swait.ge [sflag:s19], $0x4000  }
0xcf: {  	s12 =	simm.s32 $0x200;
	s6 =	rddreg [dreg:$0x4];
	[sflag:s19] =	ssyncset.done $0x0  }
.LBB2_4:
0xd0: {  	[sflag:s19] =	ssyncadd.s32 $0xFFFFC000;
	s6 =	sadd.s32 s11, s6  }
0xd1: {  	[tilespmem:s4], [sflag:$0x3] =	stream.linear.gather [hbm4b:s6+s4], $0x800, $0x38;
	[tilespmem:$0x1D000] =	vst v63  }
0xd2: {  	_ =	swait.ge [sflag:s14], $0x800  }
0xd3: {  	[sflag:s14] =	ssyncset.done $0x0  }
0xd4: {  	s6 =	sadd.s32 s11, s5;
	[sflag:s14] =	ssyncadd.s32 $0xFFFFF800  }
0xd5: {  	[tilespmem:s15], [sflag:$0x3] =	stream.linear.gather [hbm4b:s6+s4], $0x800, $0x38;
	[tilespmem:$0x1D000] =	vst v63  }
0xd6: {  	_ =	swait.ge [sflag:s14], $0x800  }
0xd7: {  	[sflag:s14] =	ssyncset.done $0x0  }
0xd8: {  	[sflag:s14] =	ssyncadd.s32 $0xFFFFF800  }
0xd9: {  	[tilespmem:s13], [sflag:$0x1] =	stream.indirect.gather [hbm4b:s1+s16], $0x80, s4, s16, $0xb8;
	[tilespmem:$0x1D000] =	vst v63  }
0xda: {  	_ = 	snop  }
0xdb: {  	[tilespmem:s17], [sflag:$0x1] =	stream.indirect.gather [hbm4b:s1+s16], $0x80, s16, s16, $0xb8;
	[tilespmem:$0x1D000] =	vst v63  }
0xdc: {  	_ =	swait.ge [sflag:s18], $0x4000  }
0xdd: {  	[sflag:s18] =	ssyncset.done $0x0  }
0xde: {  	[sflag:s18] =	ssyncadd.s32 $0xFFFFC000  }
0xdf: {  	[spmem:s3] =	stream.indirect.scatter.add.f32 [tilespmem:s13], [sflag:$0x2], $0x80, s15, s16, $0xb8;
	[tilespmem:$0x1D000] =	vst v63  }
0xe0: {  	_ =	swait.ge [sflag:s19], $0x4000  }
0xe1: {  	s10 =	smov.u32 s12;
	[sflag:s19] =	ssyncset.done $0x0  }
0xe2: {  	s11 =	smov.u32 s10;
	s10 =	rddreg [dreg:$0x5];
	[sflag:s19] =	ssyncadd.s32 $0xFFFFC000  }
0xe3: {  	[tilespmem:s13], [sflag:$0x1] =	stream.indirect.gather [hbm4b:s1+s16], $0x80, s10, s16, $0xb8;
	[tilespmem:$0x1D000] =	vst v63  }
0xe4: {  	_ =	swait.ge [sflag:s18], $0x4000  }
0xe5: {  	[sflag:s18] =	ssyncset.done $0x0  }
0xe6: {  	s10 =	rddreg [dreg:$0x6];
	[sflag:s18] =	ssyncadd.s32 $0xFFFFC000  }
0xe7: {  	[spmem:s3] =	stream.indirect.scatter.add.f32 [tilespmem:s17], [sflag:$0x2], $0x80, s10, s16, $0xb8;
	[tilespmem:$0x1D000] =	vst v63  }
0xe8: {  	_ =	swait.ge [sflag:s19], $0x4000  }
0xe9: {  	[sflag:s19] =	ssyncset.done $0x0  }
0xea: {  	s10 =	rddreg [dreg:$0x7];
	[sflag:s19] =	ssyncadd.s32 $0xFFFFC000  }
0xeb: {  	[tilespmem:s17], [sflag:$0x1] =	stream.indirect.gather [hbm4b:s1+s16], $0x80, s10, s16, $0xb8;
	[tilespmem:$0x1D000] =	vst v63  }
0xec: {  	_ =	swait.ge [sflag:s18], $0x4000  }
0xed: {  	[sflag:s18] =	ssyncset.done $0x0  }
0xee: {  	s10 =	rddreg [dreg:$0x8];
	[sflag:s18] =	ssyncadd.s32 $0xFFFFC000  }
0xef: {  	[spmem:s3] =	stream.indirect.scatter.add.f32 [tilespmem:s13], [sflag:$0x2], $0x80, s10, s16, $0xb8;
	[tilespmem:$0x1D000] =	vst v63  }
0xf0: {  	_ =	swait.ge [sflag:s19], $0x4000  }
0xf1: {  	[sflag:s19] =	ssyncset.done $0x0  }
0xf2: {  	s10 =	rddreg [dreg:$0x9];
	[sflag:s19] =	ssyncadd.s32 $0xFFFFC000  }
0xf3: {  	[tilespmem:s13], [sflag:$0x1] =	stream.indirect.gather [hbm4b:s1+s16], $0x80, s10, s16, $0xb8;
	[tilespmem:$0x1D000] =	vst v63  }
0xf4: {  	_ =	swait.ge [sflag:s18], $0x4000  }
0xf5: {  	[sflag:s18] =	ssyncset.done $0x0  }
0xf6: {  	s10 =	rddreg [dreg:$0xa];
	[sflag:s18] =	ssyncadd.s32 $0xFFFFC000  }
0xf7: {  	[spmem:s3] =	stream.indirect.scatter.add.f32 [tilespmem:s17], [sflag:$0x2], $0x80, s10, s16, $0xb8;
	[tilespmem:$0x1D000] =	vst v63  }
0xf8: {  	_ =	swait.ge [sflag:s19], $0x4000  }
0xf9: {  	[sflag:s19] =	ssyncset.done $0x0  }
0xfa: {  	s10 =	rddreg [dreg:$0xb];
	[sflag:s19] =	ssyncadd.s32 $0xFFFFC000  }
0xfb: {  	[tilespmem:s17], [sflag:$0x1] =	stream.indirect.gather [hbm4b:s1+s16], $0x80, s10, s16, $0xb8;
	[tilespmem:$0x1D000] =	vst v63  }
0xfc: {  	_ =	swait.ge [sflag:s18], $0x4000  }
0xfd: {  	[sflag:s18] =	ssyncset.done $0x0  }
0xfe: {  	s10 =	rddreg [dreg:$0xc];
	[sflag:s18] =	ssyncadd.s32 $0xFFFFC000  }
0xff: {  	[spmem:s3] =	stream.indirect.scatter.add.f32 [tilespmem:s13], [sflag:$0x2], $0x80, s10, s16, $0xb8;
	[tilespmem:$0x1D000] =	vst v63  }
0x100: {  	_ =	swait.ge [sflag:s19], $0x4000  }
0x101: {  	[sflag:s19] =	ssyncset.done $0x0  }
0x102: {  	s10 =	rddreg [dreg:$0xd];
	[sflag:s19] =	ssyncadd.s32 $0xFFFFC000  }
0x103: {  	[tilespmem:s13], [sflag:$0x1] =	stream.indirect.gather [hbm4b:s1+s16], $0x80, s10, s16, $0xb8;
	[tilespmem:$0x1D000] =	vst v63  }
0x104: {  	_ =	swait.ge [sflag:s18], $0x4000  }
0x105: {  	[sflag:s18] =	ssyncset.done $0x0  }
0x106: {  	s10 =	rddreg [dreg:$0xe];
	[sflag:s18] =	ssyncadd.s32 $0xFFFFC000  }
0x107: {  	[spmem:s3] =	stream.indirect.scatter.add.f32 [tilespmem:s17], [sflag:$0x2], $0x80, s10, s16, $0xb8;
	[tilespmem:$0x1D000] =	vst v63  }
0x108: {  	_ =	swait.ge [sflag:s19], $0x4000  }
0x109: {  	[sflag:s19] =	ssyncset.done $0x0  }
0x10a: {  	s10 =	rddreg [dreg:$0xf];
	[sflag:s19] =	ssyncadd.s32 $0xFFFFC000  }
0x10b: {  	[tilespmem:s17], [sflag:$0x1] =	stream.indirect.gather [hbm4b:s1+s16], $0x80, s10, s16, $0xb8;
	[tilespmem:$0x1D000] =	vst v63  }
0x10c: {  	_ =	swait.ge [sflag:s18], $0x4000  }
0x10d: {  	[sflag:s18] =	ssyncset.done $0x0  }
0x10e: {  	s10 =	rddreg [dreg:$0x10];
	[sflag:s18] =	ssyncadd.s32 $0xFFFFC000  }
0x10f: {  	[spmem:s3] =	stream.indirect.scatter.add.f32 [tilespmem:s13], [sflag:$0x2], $0x80, s10, s16, $0xb8;
	[tilespmem:$0x1D000] =	vst v63  }
0x110: {  	_ =	swait.ge [sflag:s19], $0x4000  }
0x111: {  	[sflag:s19] =	ssyncset.done $0x0  }
0x112: {  	s10 =	rddreg [dreg:$0x11];
	[sflag:s19] =	ssyncadd.s32 $0xFFFFC000  }
0x113: {  	[tilespmem:s13], [sflag:$0x1] =	stream.indirect.gather [hbm4b:s1+s16], $0x80, s10, s16, $0xb8;
	[tilespmem:$0x1D000] =	vst v63  }
0x114: {  	_ =	swait.ge [sflag:s18], $0x4000  }
0x115: {  	[sflag:s18] =	ssyncset.done $0x0  }
0x116: {  	[sflag:s18] =	ssyncadd.s32 $0xFFFFC000  }
0x117: {  	[spmem:s3] =	stream.indirect.scatter.add.f32 [tilespmem:s17], [sflag:$0x2], $0x80, s20, s16, $0xb8;
	[tilespmem:$0x1D000] =	vst v63  }
0x118: {  	_ =	swait.ge [sflag:s19], $0x4000  }
0x119: {  	[sflag:s19] =	ssyncset.done $0x0  }
0x11a: {  	[sflag:s19] =	ssyncadd.s32 $0xFFFFC000  }
0x11b: {  	[tilespmem:s17], [sflag:$0x1] =	stream.indirect.gather [hbm4b:s1+s16], $0x80, s21, s16, $0xb8;
	[tilespmem:$0x1D000] =	vst v63  }
0x11c: {  	_ =	swait.ge [sflag:s18], $0x4000  }
0x11d: {  	[sflag:s18] =	ssyncset.done $0x0  }
0x11e: {  	[sflag:s18] =	ssyncadd.s32 $0xFFFFC000  }
0x11f: {  	[spmem:s3] =	stream.indirect.scatter.add.f32 [tilespmem:s13], [sflag:$0x2], $0x80, s22, s16, $0xb8;
	[tilespmem:$0x1D000] =	vst v63  }
0x120: {  	_ =	swait.ge [sflag:s19], $0x4000  }
0x121: {  	[sflag:s19] =	ssyncset.done $0x0  }
0x122: {  	[sflag:s19] =	ssyncadd.s32 $0xFFFFC000  }
0x123: {  	[tilespmem:s13], [sflag:$0x1] =	stream.indirect.gather [hbm4b:s1+s16], $0x80, s23, s16, $0xb8;
	[tilespmem:$0x1D000] =	vst v63  }
0x124: {  	_ =	swait.ge [sflag:s18], $0x4000  }
0x125: {  	[sflag:s18] =	ssyncset.done $0x0  }
0x126: {  	[sflag:s18] =	ssyncadd.s32 $0xFFFFC000  }
0x127: {  	[spmem:s3] =	stream.indirect.scatter.add.f32 [tilespmem:s17], [sflag:$0x2], $0x80, s24, s16, $0xb8;
	[tilespmem:$0x1D000] =	vst v63  }
0x128: {  	_ =	swait.ge [sflag:s19], $0x4000  }
0x129: {  	[sflag:s19] =	ssyncset.done $0x0  }
0x12a: {  	[sflag:s19] =	ssyncadd.s32 $0xFFFFC000  }
0x12b: {  	[tilespmem:s17], [sflag:$0x1] =	stream.indirect.gather [hbm4b:s1+s16], $0x80, s25, s16, $0xb8;
	[tilespmem:$0x1D000] =	vst v63  }
0x12c: {  	_ =	swait.ge [sflag:s18], $0x4000  }
0x12d: {  	[sflag:s18] =	ssyncset.done $0x0  }
0x12e: {  	[sflag:s18] =	ssyncadd.s32 $0xFFFFC000  }
0x12f: {  	[spmem:s3] =	stream.indirect.scatter.add.f32 [tilespmem:s13], [sflag:$0x2], $0x80, s26, s16, $0xb8;
	[tilespmem:$0x1D000] =	vst v63  }
0x130: {  	_ =	swait.ge [sflag:s19], $0x4000  }
0x131: {  	[sflag:s19] =	ssyncset.done $0x0  }
0x132: {  	[sflag:s19] =	ssyncadd.s32 $0xFFFFC000  }
0x133: {  	[tilespmem:s13], [sflag:$0x1] =	stream.indirect.gather [hbm4b:s1+s16], $0x80, s28, s16, $0xb8;
	[tilespmem:$0x1D000] =	vst v63  }
0x134: {  	_ =	swait.ge [sflag:s18], $0x4000  }
0x135: {  	[sflag:s18] =	ssyncset.done $0x0  }
0x136: {  	[sflag:s18] =	ssyncadd.s32 $0xFFFFC000  }
0x137: {  	[spmem:s3] =	stream.indirect.scatter.add.f32 [tilespmem:s17], [sflag:$0x2], $0x80, s29, s16, $0xb8;
	[tilespmem:$0x1D000] =	vst v63  }
0x138: {  	_ =	swait.ge [sflag:s19], $0x4000  }
0x139: {  	[sflag:s19] =	ssyncset.done $0x0  }
0x13a: {  	[sflag:s19] =	ssyncadd.s32 $0xFFFFC000  }
0x13b: {  	[tilespmem:s17], [sflag:$0x1] =	stream.indirect.gather [hbm4b:s1+s16], $0x80, s30, s16, $0xb8;
	[tilespmem:$0x1D000] =	vst v63  }
0x13c: {  	_ =	swait.ge [sflag:s18], $0x4000  }
0x13d: {  	[sflag:s18] =	ssyncset.done $0x0  }
0x13e: {  	[sflag:s18] =	ssyncadd.s32 $0xFFFFC000  }
0x13f: {  	[spmem:s3] =	stream.indirect.scatter.add.f32 [tilespmem:s13], [sflag:$0x2], $0x80, s31, s16, $0xb8;
	[tilespmem:$0x1D000] =	vst v63  }
0x140: {  	_ =	swait.ge [sflag:s19], $0x4000  }
0x141: {  	[sflag:s19] =	ssyncset.done $0x0  }
0x142: {  	[sflag:s19] =	ssyncadd.s32 $0xFFFFC000  }
0x143: {  	[tilespmem:s13], [sflag:$0x1] =	stream.indirect.gather [hbm4b:s1+s16], $0x80, s2, s16, $0xb8;
	[tilespmem:$0x1D000] =	vst v63  }
0x144: {  	_ =	swait.ge [sflag:s18], $0x4000  }
0x145: {  	[sflag:s18] =	ssyncset.done $0x0  }
0x146: {  	[sflag:s18] =	ssyncadd.s32 $0xFFFFC000  }
0x147: {  	[spmem:s3] =	stream.indirect.scatter.add.f32 [tilespmem:s17], [sflag:$0x2], $0x80, s0, s16, $0xb8;
	[tilespmem:$0x1D000] =	vst v63  }
0x148: {  	_ =	swait.ge [sflag:s19], $0x4000  }
0x149: {  	[sflag:s19] =	ssyncset.done $0x0  }
0x14a: {  	[sflag:s19] =	ssyncadd.s32 $0xFFFFC000  }
0x14b: {  	[tilespmem:s17], [sflag:$0x1] =	stream.indirect.gather [hbm4b:s1+s16], $0x80, s7, s16, $0xb8;
	[tilespmem:$0x1D000] =	vst v63  }
0x14c: {  	_ =	swait.ge [sflag:s18], $0x4000  }
0x14d: {  	[sflag:s18] =	ssyncset.done $0x0  }
0x14e: {  	[sflag:s18] =	ssyncadd.s32 $0xFFFFC000  }
0x14f: {  	[spmem:s3] =	stream.indirect.scatter.add.f32 [tilespmem:s13], [sflag:$0x2], $0x80, s8, s16, $0xb8;
	[tilespmem:$0x1D000] =	vst v63  }
0x150: {  	_ =	swait.ge [sflag:s19], $0x4000  }
0x151: {  	[sflag:s19] =	ssyncset.done $0x0  }
0x152: {  	[sflag:s19] =	ssyncadd.s32 $0xFFFFC000  }
0x153: {  	p0 =	sne.s32 s12, $0x400;
	_ =	swait.ge [sflag:s18], $0x4000  }
.Ltmp1:
0x154: {  	[sflag:s18] =	ssyncset.done $0x0;
	(pc) =	sbr.rel @p0 .LBB2_4-.Ltmp1, $4  }
0x155: {  	[sflag:s18] =	ssyncadd.s32 $0xFFFFC000  }
0x156: {  	[spmem:s3] =	stream.indirect.scatter.add.f32 [tilespmem:s17], [sflag:$0x2], $0x80, s9, s16, $0xb8;
	[tilespmem:$0x1D000] =	vst v63  }
0x157: {  	_ =	swait.ge [sflag:s19], $0x4000  }
0x158: {  	s12 =	sadd.s32 $0x100, s12;
	s6 =	rddreg [dreg:$0x4];
	[sflag:s19] =	ssyncset.done $0x0  }
0x159: {  	[sflag:s19] =	ssyncadd.s32 $0xFFFFC000;
	s6 =	sadd.s32 s11, s6  }
0x15a: {  	[tilespmem:s4], [sflag:$0x3] =	stream.linear.gather [hbm4b:s6+s4], $0x800, $0x38;
	[tilespmem:$0x1D000] =	vst v63  }
0x15b: {  	_ =	swait.ge [sflag:s14], $0x800  }
0x15c: {  	[sflag:s14] =	ssyncset.done $0x0  }
0x15d: {  	s12 =	sadd.s32 s11, s5;
	[sflag:s14] =	ssyncadd.s32 $0xFFFFF800  }
0x15e: {  	[tilespmem:s15], [sflag:$0x3] =	stream.linear.gather [hbm4b:s12+s4], $0x800, $0x38;
	[tilespmem:$0x1D000] =	vst v63  }
0x15f: {  	_ =	swait.ge [sflag:s14], $0x800  }
0x160: {  	[sflag:s14] =	ssyncset.done $0x0  }
0x161: {  	[sflag:s14] =	ssyncadd.s32 $0xFFFFF800  }
0x162: {  	[tilespmem:s13], [sflag:$0x1] =	stream.indirect.gather [hbm4b:s1+s16], $0x80, s4, s16, $0xb8;
	[tilespmem:$0x1D000] =	vst v63  }
0x163: {  	_ = 	snop  }
0x164: {  	[tilespmem:s17], [sflag:$0x1] =	stream.indirect.gather [hbm4b:s1+s16], $0x80, s16, s16, $0xb8;
	[tilespmem:$0x1D000] =	vst v63  }
0x165: {  	_ =	swait.ge [sflag:s18], $0x4000  }
0x166: {  	[sflag:s18] =	ssyncset.done $0x0  }
0x167: {  	[sflag:s18] =	ssyncadd.s32 $0xFFFFC000  }
0x168: {  	[spmem:s3] =	stream.indirect.scatter.add.f32 [tilespmem:s13], [sflag:$0x2], $0x80, s15, s16, $0xb8;
	[tilespmem:$0x1D000] =	vst v63  }
0x169: {  	_ =	swait.ge [sflag:s19], $0x4000  }
0x16a: {  	[sflag:s19] =	ssyncset.done $0x0  }
0x16b: {  	s10 =	rddreg [dreg:$0x5];
	[sflag:s19] =	ssyncadd.s32 $0xFFFFC000  }
0x16c: {  	[tilespmem:s13], [sflag:$0x1] =	stream.indirect.gather [hbm4b:s1+s16], $0x80, s10, s16, $0xb8;
	[tilespmem:$0x1D000] =	vst v63  }
0x16d: {  	_ =	swait.ge [sflag:s18], $0x4000  }
0x16e: {  	[sflag:s18] =	ssyncset.done $0x0  }
0x16f: {  	s11 =	rddreg [dreg:$0x6];
	[sflag:s18] =	ssyncadd.s32 $0xFFFFC000  }
0x170: {  	[spmem:s3] =	stream.indirect.scatter.add.f32 [tilespmem:s17], [sflag:$0x2], $0x80, s11, s16, $0xb8;
	[tilespmem:$0x1D000] =	vst v63  }
0x171: {  	_ =	swait.ge [sflag:s19], $0x4000  }
0x172: {  	[sflag:s19] =	ssyncset.done $0x0  }
0x173: {  	s12 =	rddreg [dreg:$0x7];
	[sflag:s19] =	ssyncadd.s32 $0xFFFFC000  }
0x174: {  	[tilespmem:s17], [sflag:$0x1] =	stream.indirect.gather [hbm4b:s1+s16], $0x80, s12, s16, $0xb8;
	[tilespmem:$0x1D000] =	vst v63  }
0x175: {  	_ =	swait.ge [sflag:s18], $0x4000  }
0x176: {  	[sflag:s18] =	ssyncset.done $0x0  }
0x177: {  	s10 =	rddreg [dreg:$0x8];
	[sflag:s18] =	ssyncadd.s32 $0xFFFFC000  }
0x178: {  	[spmem:s3] =	stream.indirect.scatter.add.f32 [tilespmem:s13], [sflag:$0x2], $0x80, s10, s16, $0xb8;
	[tilespmem:$0x1D000] =	vst v63  }
0x179: {  	_ =	swait.ge [sflag:s19], $0x4000  }
0x17a: {  	[sflag:s19] =	ssyncset.done $0x0  }
0x17b: {  	s11 =	rddreg [dreg:$0x9];
	[sflag:s19] =	ssyncadd.s32 $0xFFFFC000  }
0x17c: {  	[tilespmem:s13], [sflag:$0x1] =	stream.indirect.gather [hbm4b:s1+s16], $0x80, s11, s16, $0xb8;
	[tilespmem:$0x1D000] =	vst v63  }
0x17d: {  	_ =	swait.ge [sflag:s18], $0x4000  }
0x17e: {  	[sflag:s18] =	ssyncset.done $0x0  }
0x17f: {  	s12 =	rddreg [dreg:$0xa];
	[sflag:s18] =	ssyncadd.s32 $0xFFFFC000  }
0x180: {  	[spmem:s3] =	stream.indirect.scatter.add.f32 [tilespmem:s17], [sflag:$0x2], $0x80, s12, s16, $0xb8;
	[tilespmem:$0x1D000] =	vst v63  }
0x181: {  	_ =	swait.ge [sflag:s19], $0x4000  }
0x182: {  	[sflag:s19] =	ssyncset.done $0x0  }
0x183: {  	s10 =	rddreg [dreg:$0xb];
	[sflag:s19] =	ssyncadd.s32 $0xFFFFC000  }
0x184: {  	[tilespmem:s17], [sflag:$0x1] =	stream.indirect.gather [hbm4b:s1+s16], $0x80, s10, s16, $0xb8;
	[tilespmem:$0x1D000] =	vst v63  }
0x185: {  	_ =	swait.ge [sflag:s18], $0x4000  }
0x186: {  	[sflag:s18] =	ssyncset.done $0x0  }
0x187: {  	s11 =	rddreg [dreg:$0xc];
	[sflag:s18] =	ssyncadd.s32 $0xFFFFC000  }
0x188: {  	[spmem:s3] =	stream.indirect.scatter.add.f32 [tilespmem:s13], [sflag:$0x2], $0x80, s11, s16, $0xb8;
	[tilespmem:$0x1D000] =	vst v63  }
0x189: {  	_ =	swait.ge [sflag:s19], $0x4000  }
0x18a: {  	[sflag:s19] =	ssyncset.done $0x0  }
0x18b: {  	s12 =	rddreg [dreg:$0xd];
	[sflag:s19] =	ssyncadd.s32 $0xFFFFC000  }
0x18c: {  	[tilespmem:s13], [sflag:$0x1] =	stream.indirect.gather [hbm4b:s1+s16], $0x80, s12, s16, $0xb8;
	[tilespmem:$0x1D000] =	vst v63  }
0x18d: {  	_ =	swait.ge [sflag:s18], $0x4000  }
0x18e: {  	[sflag:s18] =	ssyncset.done $0x0  }
0x18f: {  	s10 =	rddreg [dreg:$0xe];
	[sflag:s18] =	ssyncadd.s32 $0xFFFFC000  }
0x190: {  	[spmem:s3] =	stream.indirect.scatter.add.f32 [tilespmem:s17], [sflag:$0x2], $0x80, s10, s16, $0xb8;
	[tilespmem:$0x1D000] =	vst v63  }
0x191: {  	_ =	swait.ge [sflag:s19], $0x4000  }
0x192: {  	[sflag:s19] =	ssyncset.done $0x0  }
0x193: {  	s11 =	rddreg [dreg:$0xf];
	[sflag:s19] =	ssyncadd.s32 $0xFFFFC000  }
0x194: {  	[tilespmem:s17], [sflag:$0x1] =	stream.indirect.gather [hbm4b:s1+s16], $0x80, s11, s16, $0xb8;
	[tilespmem:$0x1D000] =	vst v63  }
0x195: {  	_ =	swait.ge [sflag:s18], $0x4000  }
0x196: {  	[sflag:s18] =	ssyncset.done $0x0  }
0x197: {  	s12 =	rddreg [dreg:$0x10];
	[sflag:s18] =	ssyncadd.s32 $0xFFFFC000  }
0x198: {  	[spmem:s3] =	stream.indirect.scatter.add.f32 [tilespmem:s13], [sflag:$0x2], $0x80, s12, s16, $0xb8;
	[tilespmem:$0x1D000] =	vst v63  }
0x199: {  	_ =	swait.ge [sflag:s19], $0x4000  }
0x19a: {  	[sflag:s19] =	ssyncset.done $0x0  }
0x19b: {  	s10 =	rddreg [dreg:$0x11];
	[sflag:s19] =	ssyncadd.s32 $0xFFFFC000  }
0x19c: {  	[tilespmem:s13], [sflag:$0x1] =	stream.indirect.gather [hbm4b:s1+s16], $0x80, s10, s16, $0xb8;
	[tilespmem:$0x1D000] =	vst v63  }
0x19d: {  	_ =	swait.ge [sflag:s18], $0x4000  }
0x19e: {  	[sflag:s18] =	ssyncset.done $0x0  }
0x19f: {  	[sflag:s18] =	ssyncadd.s32 $0xFFFFC000  }
0x1a0: {  	[spmem:s3] =	stream.indirect.scatter.add.f32 [tilespmem:s17], [sflag:$0x2], $0x80, s20, s16, $0xb8;
	[tilespmem:$0x1D000] =	vst v63  }
0x1a1: {  	_ =	swait.ge [sflag:s19], $0x4000  }
0x1a2: {  	[sflag:s19] =	ssyncset.done $0x0  }
0x1a3: {  	[sflag:s19] =	ssyncadd.s32 $0xFFFFC000  }
0x1a4: {  	[tilespmem:s17], [sflag:$0x1] =	stream.indirect.gather [hbm4b:s1+s16], $0x80, s21, s16, $0xb8;
	[tilespmem:$0x1D000] =	vst v63  }
0x1a5: {  	_ =	swait.ge [sflag:s18], $0x4000  }
0x1a6: {  	[sflag:s18] =	ssyncset.done $0x0  }
0x1a7: {  	[sflag:s18] =	ssyncadd.s32 $0xFFFFC000  }
0x1a8: {  	[spmem:s3] =	stream.indirect.scatter.add.f32 [tilespmem:s13], [sflag:$0x2], $0x80, s22, s16, $0xb8;
	[tilespmem:$0x1D000] =	vst v63  }
0x1a9: {  	_ =	swait.ge [sflag:s19], $0x4000  }
0x1aa: {  	[sflag:s19] =	ssyncset.done $0x0  }
0x1ab: {  	[sflag:s19] =	ssyncadd.s32 $0xFFFFC000  }
0x1ac: {  	[tilespmem:s13], [sflag:$0x1] =	stream.indirect.gather [hbm4b:s1+s16], $0x80, s23, s16, $0xb8;
	[tilespmem:$0x1D000] =	vst v63  }
0x1ad: {  	_ =	swait.ge [sflag:s18], $0x4000  }
0x1ae: {  	[sflag:s18] =	ssyncset.done $0x0  }
0x1af: {  	[sflag:s18] =	ssyncadd.s32 $0xFFFFC000  }
0x1b0: {  	[spmem:s3] =	stream.indirect.scatter.add.f32 [tilespmem:s17], [sflag:$0x2], $0x80, s24, s16, $0xb8;
	[tilespmem:$0x1D000] =	vst v63  }
0x1b1: {  	_ =	swait.ge [sflag:s19], $0x4000  }
0x1b2: {  	[sflag:s19] =	ssyncset.done $0x0  }
0x1b3: {  	[sflag:s19] =	ssyncadd.s32 $0xFFFFC000  }
0x1b4: {  	[tilespmem:s17], [sflag:$0x1] =	stream.indirect.gather [hbm4b:s1+s16], $0x80, s25, s16, $0xb8;
	[tilespmem:$0x1D000] =	vst v63  }
0x1b5: {  	_ =	swait.ge [sflag:s18], $0x4000  }
0x1b6: {  	[sflag:s18] =	ssyncset.done $0x0  }
0x1b7: {  	[sflag:s18] =	ssyncadd.s32 $0xFFFFC000  }
0x1b8: {  	[spmem:s3] =	stream.indirect.scatter.add.f32 [tilespmem:s13], [sflag:$0x2], $0x80, s26, s16, $0xb8;
	[tilespmem:$0x1D000] =	vst v63  }
0x1b9: {  	_ =	swait.ge [sflag:s19], $0x4000  }
0x1ba: {  	[sflag:s19] =	ssyncset.done $0x0  }
0x1bb: {  	[sflag:s19] =	ssyncadd.s32 $0xFFFFC000  }
0x1bc: {  	[tilespmem:s13], [sflag:$0x1] =	stream.indirect.gather [hbm4b:s1+s16], $0x80, s28, s16, $0xb8;
	[tilespmem:$0x1D000] =	vst v63  }
0x1bd: {  	_ =	swait.ge [sflag:s18], $0x4000  }
0x1be: {  	[sflag:s18] =	ssyncset.done $0x0  }
0x1bf: {  	[sflag:s18] =	ssyncadd.s32 $0xFFFFC000  }
0x1c0: {  	[spmem:s3] =	stream.indirect.scatter.add.f32 [tilespmem:s17], [sflag:$0x2], $0x80, s29, s16, $0xb8;
	[tilespmem:$0x1D000] =	vst v63  }
0x1c1: {  	_ =	swait.ge [sflag:s19], $0x4000  }
0x1c2: {  	[sflag:s19] =	ssyncset.done $0x0  }
0x1c3: {  	[sflag:s19] =	ssyncadd.s32 $0xFFFFC000  }
0x1c4: {  	[tilespmem:s17], [sflag:$0x1] =	stream.indirect.gather [hbm4b:s1+s16], $0x80, s30, s16, $0xb8;
	[tilespmem:$0x1D000] =	vst v63  }
0x1c5: {  	_ =	swait.ge [sflag:s18], $0x4000  }
0x1c6: {  	[sflag:s18] =	ssyncset.done $0x0  }
0x1c7: {  	[sflag:s18] =	ssyncadd.s32 $0xFFFFC000  }
0x1c8: {  	[spmem:s3] =	stream.indirect.scatter.add.f32 [tilespmem:s13], [sflag:$0x2], $0x80, s31, s16, $0xb8;
	[tilespmem:$0x1D000] =	vst v63  }
0x1c9: {  	_ =	swait.ge [sflag:s19], $0x4000  }
0x1ca: {  	[sflag:s19] =	ssyncset.done $0x0  }
0x1cb: {  	[sflag:s19] =	ssyncadd.s32 $0xFFFFC000  }
0x1cc: {  	[tilespmem:s13], [sflag:$0x1] =	stream.indirect.gather [hbm4b:s1+s16], $0x80, s2, s16, $0xb8;
	[tilespmem:$0x1D000] =	vst v63  }
0x1cd: {  	_ =	swait.ge [sflag:s18], $0x4000  }
0x1ce: {  	[sflag:s18] =	ssyncset.done $0x0  }
0x1cf: {  	[sflag:s18] =	ssyncadd.s32 $0xFFFFC000  }
0x1d0: {  	[spmem:s3] =	stream.indirect.scatter.add.f32 [tilespmem:s17], [sflag:$0x2], $0x80, s0, s16, $0xb8;
	[tilespmem:$0x1D000] =	vst v63  }
0x1d1: {  	_ =	swait.ge [sflag:s19], $0x4000  }
0x1d2: {  	[sflag:s19] =	ssyncset.done $0x0  }
0x1d3: {  	[sflag:s19] =	ssyncadd.s32 $0xFFFFC000  }
0x1d4: {  	[tilespmem:s17], [sflag:$0x1] =	stream.indirect.gather [hbm4b:s1+s16], $0x80, s7, s16, $0xb8;
	[tilespmem:$0x1D000] =	vst v63  }
0x1d5: {  	_ =	swait.ge [sflag:s18], $0x4000  }
0x1d6: {  	[sflag:s18] =	ssyncset.done $0x0  }
0x1d7: {  	[sflag:s18] =	ssyncadd.s32 $0xFFFFC000  }
0x1d8: {  	[spmem:s3] =	stream.indirect.scatter.add.f32 [tilespmem:s13], [sflag:$0x2], $0x80, s8, s16, $0xb8;
	[tilespmem:$0x1D000] =	vst v63  }
0x1d9: {  	_ =	swait.ge [sflag:s19], $0x4000  }
0x1da: {  	[sflag:s19] =	ssyncset.done $0x0  }
0x1db: {  	[sflag:s19] =	ssyncadd.s32 $0xFFFFC000  }
0x1dc: {  	_ =	swait.ge [sflag:s18], $0x4000  }
0x1dd: {  	[sflag:s18] =	ssyncset.done $0x0  }
0x1de: {  	[sflag:s18] =	ssyncadd.s32 $0xFFFFC000  }
0x1df: {  	[spmem:s3] =	stream.indirect.scatter.add.f32 [tilespmem:s17], [sflag:$0x2], $0x80, s9, s16, $0xb8;
	[tilespmem:$0x1D000] =	vst v63  }
0x1e0: {  	_ =	swait.ge [sflag:s19], $0x4000  }
0x1e1: {  	[sflag:s19] =	ssyncset.done $0x0  }
0x1e2: {  	[sflag:s19] =	ssyncadd.s32 $0xFFFFC000  }
0x1e3: {  	s11 =	stileid.u32;
	[bflag:$0x0] =	sbarrier.arrive $0xFFFF  }
0x1e4: {  	s6 =	sshll.u32 s11, $0x6;
	s10 =	rddreg [dreg:$0x12]  }
0x1e5: {  	s6 =	sor.u32 $0x1C03, s6;
	s12 =	rddreg [dreg:$0x17];
	s10 =	sshrl.u32 s10, $0x3  }
0x1e6: {  	[hbm:s12], [sflag:s6] =	dma.local [spmem:s10], $0x2800  }
0x1e7: {  	_ =	swait.ge [sflag:s14], $0x2800  }
0x1e8: {  	s11 =	rddreg [dreg:$0x19]  }
0x1e9: {  	s12 =	rddreg [dreg:$0x18];
	s10 =	sadd.s32 $0x1, s11  }
0x1ea: {  	p0 =	sne.s32 s10, s12  }
.Ltmp2:
0x1eb: {  	_ = 	snop;
	(pc) =	sbr.rel @p0 .LBB2_1-.Ltmp2, $3  }
0x1ec: {  	_ =	sdelay $0x1  }
0x1ed: {  	[sflag:s14] =	ssyncset.done $0x0  }
0x1ee: {  	[sflag:s14] =	ssyncadd.s32 $0xFFFFD800  }
0x1ef: {  	_ =	sfence.sel $0x180000  }
0x1f0: {  	[bflag:$0x0] =	sbarrier.arrive $0xFFFF  }
0x1f1: {  	_ =	strace $0x90000047  }
0x1f2: {  	s0 =	stileid.u32;
	[bflag:$0x2] =	sbarrier.arrive $0xFFFF  }
0x1f3: {  	p0 =	sne.s32 s0, $0x0;
	s0 =	rddreg [dreg:$0x3]  }
0x1f4: {  	s0 =	sadd.s32 @!p0 $0x100000, s0  }
0x1f5: {  	[sflag:s0] =	ssyncadd.tile.s32 @!p0 $0x1;
	_ =	shalt  }
.Lfunc_end2:
_tile_overlayer_lowered:
.L_overlay_start_2:
0x1f6: {  	(tag) =	ssettag $0x2  }
0x1f7: {  	s0 =	rddreg [dreg:$0x0];
	s2 =	stileid.u32  }
0x1f8: {  	s1 =	rddreg [dreg:$0x1];
	p0 =	sne.s32 s2, $0x0  }
0x1f9: {  	s3 =	rddreg [dreg:$0x2];
	[bflag:$0x3] =	sbarrier.arrive $0xFFFF;
	s2 =	simm.s32 @!p0 $0x1C03  }
0x1fa: {  	[timem:s3], [sflag:s2] =	dma.local @!p0 [hbm:s0], s1  }
0x1fb: {  	s0 =	simm.s32 @!p0 $0x3  }
0x1fc: {  	_ =	swait.ge @!p0 [sflag:s0], s1  }
0x1fd: {  	s1 =	ssub.s32 @!p0 $0x0, s1;
	[sflag:s0] =	ssyncset.done @!p0 $0x0  }
0x1fe: {  	[sflag:s0] =	ssyncadd.s32 @!p0 s1  }
0x1ff: {  	[bflag:$0x3] =	sbarrier.arrive $0xFFFF  }
0x200: {  	_ =	shalt  }

</sc_bundles>
